<compile_context>
chip_gen: v7x
topology: tpu7x:2x2x1
jax: 0.10.2.dev20260603
libtpu: 0.0.44.dev20260713+nightly
codegen_flags: <defaults>
</compile_context>

<pallas_src>
import functools

import jax
import jax.numpy as jnp
from jax import lax
from jax.experimental import pallas as pl
from jax.experimental.pallas import tpu as pltpu
from jax.experimental.pallas import tpu_sc as plsc

_T = 10.0
_NEG_BIG = 1e12
_F32 = jnp.float32
_BF16 = jnp.bfloat16
_HI = jax.lax.Precision.HIGHEST


def _bdot(a, b, dims):
    return jax.lax.dot_general(a.astype(_BF16), b.astype(_BF16), (dims, ((), ())),
                               preferred_element_type=_F32)


def _scores(x, sf_ref, base, kb, k_total):
    valid_c = (jax.lax.broadcasted_iota(jnp.int32, (kb, 1), 0) + base) < k_total
    sf = jnp.where(valid_c, sf_ref[...], 0.0)
    pen = jnp.where(
        (jax.lax.broadcasted_iota(jnp.int32, (1, kb), 1) + base) < k_total,
        0.0, _NEG_BIG)
    xn = jnp.sum(x * x, axis=1, keepdims=True)
    sfn = jnp.transpose(jnp.sum(sf * sf, axis=1, keepdims=True))
    dot2 = _bdot(x + x, sf, ((1,), (1,)))
    sq = (xn + (sfn + pen)) - dot2
    return -_T * jnp.sqrt(jnp.maximum(sq, 1e-12)), valid_c


def _make_sc_gather(k_pad, width):
    info = plsc.get_sparse_core_info()
    nw = info.num_cores * info.num_subcores
    b_per_w = k_pad // nw
    n_chunks = 4
    c_rows = b_per_w // n_chunks
    mesh = plsc.VectorSubcoreMesh(core_axis_name="c", subcore_axis_name="s")

    @functools.partial(
        pl.kernel, mesh=mesh,
        out_type=jax.ShapeDtypeStruct((k_pad, width), jnp.float32),
        scratch_types=[
            pltpu.VMEM((c_rows,), jnp.int32),
            pltpu.VMEM((c_rows, width), jnp.float32),
            pltpu.SemaphoreType.DMA,
        ],
    )
    def sc_gather(tab_hbm, idx_hbm, out_hbm, idx_v, rows_v, sem):
        wid = lax.axis_index("s") * info.num_cores + lax.axis_index("c")
        base = wid * b_per_w
        for t in range(n_chunks):
            off = base + t * c_rows
            pltpu.sync_copy(idx_hbm.at[pl.ds(off, c_rows)], idx_v)
            pltpu.async_copy(tab_hbm.at[idx_v], rows_v, sem).wait()
            pltpu.sync_copy(rows_v, out_hbm.at[pl.ds(off, c_rows)])

    return sc_gather


def _stage1_body(x_ref, sf_ref, df_ref, xt_ref, m_s, l_s, acc_s,
                 *, kb, k_total, n_blocks):
    j = pl.program_id(0)
    jj = jax.lax.rem(j, n_blocks)

    @pl.when(j == 0)
    def _init():
        m_s[...] = jnp.full_like(m_s, -1e30)
        l_s[...] = jnp.zeros_like(l_s)
        acc_s[...] = jnp.zeros_like(acc_s)

    s, valid_c = _scores(x_ref[...], sf_ref, jj * kb, kb, k_total)

    @pl.when(j < n_blocks)
    def _pass1():
        m_old = m_s[...]
        m_new = jnp.maximum(m_old, jnp.max(s, axis=1, keepdims=True))
        alpha = jnp.exp(m_old - m_new)
        p = jnp.exp(s - m_new)
        m_s[...] = m_new
        l_s[...] = l_s[...] * alpha + jnp.sum(p, axis=1, keepdims=True)

    @pl.when(j >= n_blocks)
    def _pass2():
        w1 = jnp.exp(s - m_s[...]) / l_s[...]
        df = jnp.where(valid_c, df_ref[...], 0.0)
        acc_s[...] = acc_s[...] + _bdot(w1, df, ((1,), (0,)))

    @pl.when(j == 2 * n_blocks - 1)
    def _finalize():
        xt_ref[...] = acc_s[...]


def _stage2_body(xt_ref, df_ref, lab_ref, f2_ref, oc_ref,
                 y_ref,
                 m_s, l_s, acc_s,
                 *, kb, k_total, n_blocks, n_labels):
    j = pl.program_id(0)
    base = j * kb

    @pl.when(j == 0)
    def _init():
        m_s[...] = jnp.full_like(m_s, -1e30)
        l_s[...] = jnp.zeros_like(l_s)
        acc_s[...] = jnp.zeros_like(acc_s)

    s, valid_c = _scores(xt_ref[...], df_ref, base, kb, k_total)
    lab = jnp.where(valid_c, lab_ref[...], 0.0)

    factor = _bdot(oc_ref[...], f2_ref[...], ((1,), (1,)))

    m_old = m_s[...]
    m_new = jnp.maximum(m_old, jnp.max(s, axis=1, keepdims=True))
    alpha = jnp.exp(m_old - m_new)
    p = jnp.exp(s - m_new) * factor
    m_s[...] = m_new
    l_s[...] = l_s[...] * alpha + jnp.sum(p, axis=1, keepdims=True)
    acc_s[...] = acc_s[...] * alpha + _bdot(p, lab, ((1,), (0,)))

    @pl.when(j == n_blocks - 1)
    def _finalize():
        y_ref[...] = acc_s[...] / l_s[...]


@jax.jit
def kernel(x, star_features, dataset_features, W, b, label_distances,
           star_sample_labels, dataset_label_idx):
    q, d = x.shape
    k_total = star_features.shape[0]
    n_labels = W.shape[1]
    kb = 2048 if k_total >= 2048 else 256
    n_blocks = pl.cdiv(k_total, kb)
    k_pad = n_blocks * kb

    width = 128
    idx_pad = jnp.pad(dataset_label_idx, (0, k_pad - k_total),
                      constant_values=n_labels)
    e_tab = jnp.exp(-_T * label_distances)
    e_hi = e_tab.astype(_BF16).astype(_F32)
    tab2 = jnp.zeros((16, width), _F32)
    tab2 = tab2.at[:n_labels, :n_labels].set(e_hi.T)
    tab2 = tab2.at[:n_labels, n_labels:2 * n_labels].set((e_tab - e_hi).T)
    f2 = _make_sc_gather(k_pad, width)(tab2, idx_pad)

    x_t = pl.pallas_call(
        functools.partial(_stage1_body, kb=kb, k_total=k_total,
                          n_blocks=n_blocks),
        grid=(2 * n_blocks,),
        in_specs=[
            pl.BlockSpec((q, d), lambda j: (0, 0)),
            pl.BlockSpec((kb, d), lambda j: (jax.lax.rem(j, n_blocks), 0)),
            pl.BlockSpec((kb, d), lambda j: (jax.lax.rem(j, n_blocks), 0)),
        ],
        out_specs=pl.BlockSpec((q, d), lambda j: (0, 0)),
        out_shape=jax.ShapeDtypeStruct((q, d), _F32),
        scratch_shapes=[
            pltpu.VMEM((q, 1), _F32),
            pltpu.VMEM((q, 1), _F32),
            pltpu.VMEM((q, d), _F32),
        ],
    )(x, star_features, dataset_features)

    preds = x_t @ W + b
    closest = jnp.argmax(preds, axis=1)
    onehot_c = jax.nn.one_hot(closest, n_labels, dtype=_F32)
    oc2 = jnp.zeros((q, width), _F32)
    oc2 = oc2.at[:, :n_labels].set(onehot_c)
    oc2 = oc2.at[:, n_labels:2 * n_labels].set(onehot_c)

    y = pl.pallas_call(
        functools.partial(_stage2_body, kb=kb, k_total=k_total,
                          n_blocks=n_blocks, n_labels=n_labels),
        grid=(n_blocks,),
        in_specs=[
            pl.BlockSpec((q, d), lambda j: (0, 0)),
            pl.BlockSpec((kb, d), lambda j: (j, 0)),
            pl.BlockSpec((kb, n_labels), lambda j: (j, 0)),
            pl.BlockSpec((kb, width), lambda j: (j, 0)),
            pl.BlockSpec((q, width), lambda j: (0, 0)),
        ],
        out_specs=pl.BlockSpec((q, n_labels), lambda j: (0, 0)),
        out_shape=jax.ShapeDtypeStruct((q, n_labels), _F32),
        scratch_shapes=[
            pltpu.VMEM((q, 1), _F32),
            pltpu.VMEM((q, 1), _F32),
            pltpu.VMEM((q, n_labels), _F32),
        ],
    )(x_t, dataset_features, star_sample_labels, f2, oc2)

    return y

# --- scband reference (transcript-rebuilt; emitter-appended) ---
"""Pipeline reference for scband-transport-nn-50268297232877 (READ-ONLY COPY).

The authoritative reference and input builder live on the scoring server;
editing this copy changes nothing except your own understanding.
"""

import jax, jax.numpy as jnp
import numpy as np

TEMPERATURE = 10.0
ETA = 1.0


def _cdist(a, b):
    # torch.cdist equivalent (euclidean), numerically clamped
    sq = jnp.sum(a * a, axis=1)[:, None] + jnp.sum(b * b, axis=1)[None, :] - 2.0 * (a @ b.T)
    return jnp.sqrt(jnp.maximum(sq, 1e-12))


def setup_inputs(seed: int = 0) -> dict:
    key = jax.random.key(seed)
    ks = jax.random.split(key, 8)
    Q, K, d, L = 1024, 100000, 64, 10
    x = jax.random.normal(ks[0], (Q, d), dtype=jnp.float32)
    star_features = jax.random.normal(ks[1], (K, d), dtype=jnp.float32)
    dataset_features = jax.random.normal(ks[2], (K, d), dtype=jnp.float32)
    W = jax.random.normal(ks[3], (d, L), dtype=jnp.float32) * 0.1
    b = jnp.zeros((L,), dtype=jnp.float32)
    label_distances = jax.random.uniform(ks[4], (L, L), dtype=jnp.float32)
    star_sample_labels = jax.random.uniform(ks[5], (K, L), dtype=jnp.float32)
    dataset_label_idx = jax.random.randint(ks[6], (K,), 0, L, dtype=jnp.int32)
    return {
        "x": x,
        "star_features": star_features,
        "dataset_features": dataset_features,
        "W": W,
        "b": b,
        "label_distances": label_distances,
        "star_sample_labels": star_sample_labels,
        "dataset_label_idx": dataset_label_idx,
    }


def reference(x, star_features, dataset_features, W, b, label_distances, star_sample_labels, dataset_label_idx):
    # --- transport_features: soft-kNN map from dataset_star domain to dataset domain ---
    d1 = _cdist(x, star_features)                       # [Q, K]
    w1 = jax.nn.softmax(-TEMPERATURE * d1, axis=1)      # temperature-smoothed transport weights
    x_t = w1 @ dataset_features                         # [Q, d] transported features

    # --- model forward in the transported domain (linear classifier stand-in) ---
    preds = x_t @ W + b                                 # [Q, L]

    # --- project_labels: argmax over logits -> nearest label index ---
    closest = jnp.argmax(preds, axis=1)                 # [Q] int

    # --- transport_labels back to dataset_star ('all_samples': feature + eta*label cost) ---
    feat_d = _cdist(x_t, dataset_features)              # [Q, K]
    lab_d = jnp.take(jnp.take(label_distances, closest, axis=0), dataset_label_idx, axis=1)  # [Q, K]
    cost = feat_d + ETA * lab_d
    w2 = jax.nn.softmax(-TEMPERATURE * cost, axis=1)    # [Q, K]
    y = w2 @ star_sample_labels                         # [Q, L] predictions in dataset_star label space
    return y

if __name__ == "__main__":
    import jax
    _d = setup_inputs()
    print(jax.jit(kernel)(*tuple(_d.values())))

</pallas_src>

<mosaic_0001>
#map = affine_map<(d0, d1) -> (0, 0)>
#map1 = affine_map<(d0, d1) -> (0)>
module attributes {stable_mosaic.version = 14 : i64} {
  func.func @sc_gather(%arg0: i32, %arg1: i32, %arg2: memref<16x128xf32, #tpu.memory_space<hbm>>, %arg3: memref<100352xi32, #tpu.memory_space<hbm>>, %arg4: memref<100352x128xf32, #tpu.memory_space<hbm>>, %arg5: memref<784xi32, #tpu.memory_space<vmem>>, %arg6: memref<784x128xf32, #tpu.memory_space<vmem>>, %arg7: memref<!tpu.dma_semaphore, #tpu.memory_space<semaphore_mem>>) attributes {dimension_semantics = [#tpu.dimension_semantics<core_parallel>, #tpu.dimension_semantics<subcore_parallel>], iteration_bounds = array<i64: 2, 16>, scalar_prefetch = 0 : i64, scratch_operands = 3 : i64, tpu.core_type = #tpu.core_type<sc_vector_subcore>, window_params = [{transform_indices = #map}, {transform_indices = #map1}, {transform_indices = #map}]} {
    %mul3A = arith.constant 2 : i32
    %mul3A_0 = arith.muli %arg1, %mul3A : i32
    %add3A = arith.addi %mul3A_0, %arg0 : i32
    %mul3A_1 = arith.constant 3136 : i32
    %mul3A_2 = arith.muli %add3A, %mul3A_1 : i32
    %add3A_3 = arith.constant 0 : i32
    %add3A_4 = arith.addi %mul3A_2, %add3A_3 : i32
    "tpu.region"() ({
      %run_scoped3A = tpu.sem_alloc : memref<!tpu.dma_semaphore, #tpu.memory_space<semaphore_mem>>
      %dma_start3A_33 = tpu.memref_slice %arg3[%add3A_4] : memref<100352xi32, #tpu.memory_space<hbm>> -> memref<784xi32, #tpu.memory_space<hbm>>
      %dma_start3A_34 = tpu.memref_slice %arg3[%add3A_4] : memref<100352xi32, #tpu.memory_space<hbm>> -> memref<784xi32, #tpu.memory_space<hbm>>
      tpu.enqueue_dma source(%dma_start3A_34 : memref<784xi32, #tpu.memory_space<hbm>>) target(%arg5 : memref<784xi32, #tpu.memory_space<vmem>>) target_semaphore(%run_scoped3A : memref<!tpu.dma_semaphore, #tpu.memory_space<semaphore_mem>>)
      %dma_wait3A_35 = tpu.memref_slice %arg3[%add3A_4] : memref<100352xi32, #tpu.memory_space<hbm>> -> memref<784xi32, #tpu.memory_space<hbm>>
      %dma_wait3A_36 = tpu.memref_slice %arg3[%add3A_4] : memref<100352xi32, #tpu.memory_space<hbm>> -> memref<784xi32, #tpu.memory_space<hbm>>
      tpu.wait_dma2 semaphore(%run_scoped3A : memref<!tpu.dma_semaphore, #tpu.memory_space<semaphore_mem>>) src(%dma_wait3A_36 : memref<784xi32, #tpu.memory_space<hbm>>) dst(%arg5 : memref<784xi32, #tpu.memory_space<vmem>>)
      tpu.yield
    }) : () -> ()
    %dma_start3A = arith.constant 0 : i32
    %dma_start3A_5 = arith.constant 0 : i32
    %dma_start3A_6 = tpu.memref_slice %arg2[%dma_start3A, %dma_start3A_5] : memref<16x128xf32, #tpu.memory_space<hbm>> -> memref<16x128xf32, #tpu.memory_space<hbm>>
    tpu.enqueue_indirect_dma source(%dma_start3A_6 : memref<16x128xf32, #tpu.memory_space<hbm>>) target(%arg6 : memref<784x128xf32, #tpu.memory_space<vmem>>) offsets(%arg5 : memref<784xi32, #tpu.memory_space<vmem>>) semaphore(%arg7 : memref<!tpu.dma_semaphore, #tpu.memory_space<semaphore_mem>>)
    %dma_wait3A = arith.constant 0 : i32
    %dma_wait3A_7 = arith.constant 0 : i32
    %dma_wait3A_8 = tpu.memref_slice %arg2[%dma_wait3A, %dma_wait3A_7] : memref<16x128xf32, #tpu.memory_space<hbm>> -> memref<16x128xf32, #tpu.memory_space<hbm>>
    tpu.wait_indirect_dma semaphore(%arg7 : memref<!tpu.dma_semaphore, #tpu.memory_space<semaphore_mem>>) src(%dma_wait3A_8 : memref<16x128xf32, #tpu.memory_space<hbm>>) dst(%arg6 : memref<784x128xf32, #tpu.memory_space<vmem>>)
    "tpu.region"() ({
      %run_scoped3A = tpu.sem_alloc : memref<!tpu.dma_semaphore, #tpu.memory_space<semaphore_mem>>
      %dma_start3A_33 = arith.constant 0 : i32
      %dma_start3A_34 = tpu.memref_slice %arg4[%add3A_4, %dma_start3A_33] : memref<100352x128xf32, #tpu.memory_space<hbm>> -> memref<784x128xf32, #tpu.memory_space<hbm>>
      %dma_start3A_35 = arith.constant 0 : i32
      %dma_start3A_36 = tpu.memref_slice %arg4[%add3A_4, %dma_start3A_35] : memref<100352x128xf32, #tpu.memory_space<hbm>> -> memref<784x128xf32, #tpu.memory_space<hbm>>
      tpu.enqueue_dma source(%arg6 : memref<784x128xf32, #tpu.memory_space<vmem>>) target(%dma_start3A_36 : memref<784x128xf32, #tpu.memory_space<hbm>>) target_semaphore(%run_scoped3A : memref<!tpu.dma_semaphore, #tpu.memory_space<semaphore_mem>>)
      %dma_wait3A_37 = arith.constant 0 : i32
      %dma_wait3A_38 = tpu.memref_slice %arg4[%add3A_4, %dma_wait3A_37] : memref<100352x128xf32, #tpu.memory_space<hbm>> -> memref<784x128xf32, #tpu.memory_space<hbm>>
      %dma_wait3A_39 = arith.constant 0 : i32
      %dma_wait3A_40 = tpu.memref_slice %arg4[%add3A_4, %dma_wait3A_39] : memref<100352x128xf32, #tpu.memory_space<hbm>> -> memref<784x128xf32, #tpu.memory_space<hbm>>
      tpu.wait_dma2 semaphore(%run_scoped3A : memref<!tpu.dma_semaphore, #tpu.memory_space<semaphore_mem>>) src(%arg6 : memref<784x128xf32, #tpu.memory_space<vmem>>) dst(%dma_wait3A_40 : memref<784x128xf32, #tpu.memory_space<hbm>>)
      tpu.yield
    }) : () -> ()
    %add3A_9 = arith.constant 784 : i32
    %add3A_10 = arith.addi %mul3A_2, %add3A_9 : i32
    "tpu.region"() ({
      %run_scoped3A = tpu.sem_alloc : memref<!tpu.dma_semaphore, #tpu.memory_space<semaphore_mem>>
      %dma_start3A_33 = tpu.memref_slice %arg3[%add3A_10] : memref<100352xi32, #tpu.memory_space<hbm>> -> memref<784xi32, #tpu.memory_space<hbm>>
      %dma_start3A_34 = tpu.memref_slice %arg3[%add3A_10] : memref<100352xi32, #tpu.memory_space<hbm>> -> memref<784xi32, #tpu.memory_space<hbm>>
      tpu.enqueue_dma source(%dma_start3A_34 : memref<784xi32, #tpu.memory_space<hbm>>) target(%arg5 : memref<784xi32, #tpu.memory_space<vmem>>) target_semaphore(%run_scoped3A : memref<!tpu.dma_semaphore, #tpu.memory_space<semaphore_mem>>)
      %dma_wait3A_35 = tpu.memref_slice %arg3[%add3A_10] : memref<100352xi32, #tpu.memory_space<hbm>> -> memref<784xi32, #tpu.memory_space<hbm>>
      %dma_wait3A_36 = tpu.memref_slice %arg3[%add3A_10] : memref<100352xi32, #tpu.memory_space<hbm>> -> memref<784xi32, #tpu.memory_space<hbm>>
      tpu.wait_dma2 semaphore(%run_scoped3A : memref<!tpu.dma_semaphore, #tpu.memory_space<semaphore_mem>>) src(%dma_wait3A_36 : memref<784xi32, #tpu.memory_space<hbm>>) dst(%arg5 : memref<784xi32, #tpu.memory_space<vmem>>)
      tpu.yield
    }) : () -> ()
    %dma_start3A_11 = arith.constant 0 : i32
    %dma_start3A_12 = arith.constant 0 : i32
    %dma_start3A_13 = tpu.memref_slice %arg2[%dma_start3A_11, %dma_start3A_12] : memref<16x128xf32, #tpu.memory_space<hbm>> -> memref<16x128xf32, #tpu.memory_space<hbm>>
    tpu.enqueue_indirect_dma source(%dma_start3A_13 : memref<16x128xf32, #tpu.memory_space<hbm>>) target(%arg6 : memref<784x128xf32, #tpu.memory_space<vmem>>) offsets(%arg5 : memref<784xi32, #tpu.memory_space<vmem>>) semaphore(%arg7 : memref<!tpu.dma_semaphore, #tpu.memory_space<semaphore_mem>>)
    %dma_wait3A_14 = arith.constant 0 : i32
    %dma_wait3A_15 = arith.constant 0 : i32
    %dma_wait3A_16 = tpu.memref_slice %arg2[%dma_wait3A_14, %dma_wait3A_15] : memref<16x128xf32, #tpu.memory_space<hbm>> -> memref<16x128xf32, #tpu.memory_space<hbm>>
    tpu.wait_indirect_dma semaphore(%arg7 : memref<!tpu.dma_semaphore, #tpu.memory_space<semaphore_mem>>) src(%dma_wait3A_16 : memref<16x128xf32, #tpu.memory_space<hbm>>) dst(%arg6 : memref<784x128xf32, #tpu.memory_space<vmem>>)
    "tpu.region"() ({
      %run_scoped3A = tpu.sem_alloc : memref<!tpu.dma_semaphore, #tpu.memory_space<semaphore_mem>>
      %dma_start3A_33 = arith.constant 0 : i32
      %dma_start3A_34 = tpu.memref_slice %arg4[%add3A_10, %dma_start3A_33] : memref<100352x128xf32, #tpu.memory_space<hbm>> -> memref<784x128xf32, #tpu.memory_space<hbm>>
      %dma_start3A_35 = arith.constant 0 : i32
      %dma_start3A_36 = tpu.memref_slice %arg4[%add3A_10, %dma_start3A_35] : memref<100352x128xf32, #tpu.memory_space<hbm>> -> memref<784x128xf32, #tpu.memory_space<hbm>>
      tpu.enqueue_dma source(%arg6 : memref<784x128xf32, #tpu.memory_space<vmem>>) target(%dma_start3A_36 : memref<784x128xf32, #tpu.memory_space<hbm>>) target_semaphore(%run_scoped3A : memref<!tpu.dma_semaphore, #tpu.memory_space<semaphore_mem>>)
      %dma_wait3A_37 = arith.constant 0 : i32
      %dma_wait3A_38 = tpu.memref_slice %arg4[%add3A_10, %dma_wait3A_37] : memref<100352x128xf32, #tpu.memory_space<hbm>> -> memref<784x128xf32, #tpu.memory_space<hbm>>
      %dma_wait3A_39 = arith.constant 0 : i32
      %dma_wait3A_40 = tpu.memref_slice %arg4[%add3A_10, %dma_wait3A_39] : memref<100352x128xf32, #tpu.memory_space<hbm>> -> memref<784x128xf32, #tpu.memory_space<hbm>>
      tpu.wait_dma2 semaphore(%run_scoped3A : memref<!tpu.dma_semaphore, #tpu.memory_space<semaphore_mem>>) src(%arg6 : memref<784x128xf32, #tpu.memory_space<vmem>>) dst(%dma_wait3A_40 : memref<784x128xf32, #tpu.memory_space<hbm>>)
      tpu.yield
    }) : () -> ()
    %add3A_17 = arith.constant 1568 : i32
    %add3A_18 = arith.addi %mul3A_2, %add3A_17 : i32
    "tpu.region"() ({
      %run_scoped3A = tpu.sem_alloc : memref<!tpu.dma_semaphore, #tpu.memory_space<semaphore_mem>>
      %dma_start3A_33 = tpu.memref_slice %arg3[%add3A_18] : memref<100352xi32, #tpu.memory_space<hbm>> -> memref<784xi32, #tpu.memory_space<hbm>>
      %dma_start3A_34 = tpu.memref_slice %arg3[%add3A_18] : memref<100352xi32, #tpu.memory_space<hbm>> -> memref<784xi32, #tpu.memory_space<hbm>>
      tpu.enqueue_dma source(%dma_start3A_34 : memref<784xi32, #tpu.memory_space<hbm>>) target(%arg5 : memref<784xi32, #tpu.memory_space<vmem>>) target_semaphore(%run_scoped3A : memref<!tpu.dma_semaphore, #tpu.memory_space<semaphore_mem>>)
      %dma_wait3A_35 = tpu.memref_slice %arg3[%add3A_18] : memref<100352xi32, #tpu.memory_space<hbm>> -> memref<784xi32, #tpu.memory_space<hbm>>
      %dma_wait3A_36 = tpu.memref_slice %arg3[%add3A_18] : memref<100352xi32, #tpu.memory_space<hbm>> -> memref<784xi32, #tpu.memory_space<hbm>>
      tpu.wait_dma2 semaphore(%run_scoped3A : memref<!tpu.dma_semaphore, #tpu.memory_space<semaphore_mem>>) src(%dma_wait3A_36 : memref<784xi32, #tpu.memory_space<hbm>>) dst(%arg5 : memref<784xi32, #tpu.memory_space<vmem>>)
      tpu.yield
    }) : () -> ()
    %dma_start3A_19 = arith.constant 0 : i32
    %dma_start3A_20 = arith.constant 0 : i32
    %dma_start3A_21 = tpu.memref_slice %arg2[%dma_start3A_19, %dma_start3A_20] : memref<16x128xf32, #tpu.memory_space<hbm>> -> memref<16x128xf32, #tpu.memory_space<hbm>>
    tpu.enqueue_indirect_dma source(%dma_start3A_21 : memref<16x128xf32, #tpu.memory_space<hbm>>) target(%arg6 : memref<784x128xf32, #tpu.memory_space<vmem>>) offsets(%arg5 : memref<784xi32, #tpu.memory_space<vmem>>) semaphore(%arg7 : memref<!tpu.dma_semaphore, #tpu.memory_space<semaphore_mem>>)
    %dma_wait3A_22 = arith.constant 0 : i32
    %dma_wait3A_23 = arith.constant 0 : i32
    %dma_wait3A_24 = tpu.memref_slice %arg2[%dma_wait3A_22, %dma_wait3A_23] : memref<16x128xf32, #tpu.memory_space<hbm>> -> memref<16x128xf32, #tpu.memory_space<hbm>>
    tpu.wait_indirect_dma semaphore(%arg7 : memref<!tpu.dma_semaphore, #tpu.memory_space<semaphore_mem>>) src(%dma_wait3A_24 : memref<16x128xf32, #tpu.memory_space<hbm>>) dst(%arg6 : memref<784x128xf32, #tpu.memory_space<vmem>>)
    "tpu.region"() ({
      %run_scoped3A = tpu.sem_alloc : memref<!tpu.dma_semaphore, #tpu.memory_space<semaphore_mem>>
      %dma_start3A_33 = arith.constant 0 : i32
      %dma_start3A_34 = tpu.memref_slice %arg4[%add3A_18, %dma_start3A_33] : memref<100352x128xf32, #tpu.memory_space<hbm>> -> memref<784x128xf32, #tpu.memory_space<hbm>>
      %dma_start3A_35 = arith.constant 0 : i32
      %dma_start3A_36 = tpu.memref_slice %arg4[%add3A_18, %dma_start3A_35] : memref<100352x128xf32, #tpu.memory_space<hbm>> -> memref<784x128xf32, #tpu.memory_space<hbm>>
      tpu.enqueue_dma source(%arg6 : memref<784x128xf32, #tpu.memory_space<vmem>>) target(%dma_start3A_36 : memref<784x128xf32, #tpu.memory_space<hbm>>) target_semaphore(%run_scoped3A : memref<!tpu.dma_semaphore, #tpu.memory_space<semaphore_mem>>)
      %dma_wait3A_37 = arith.constant 0 : i32
      %dma_wait3A_38 = tpu.memref_slice %arg4[%add3A_18, %dma_wait3A_37] : memref<100352x128xf32, #tpu.memory_space<hbm>> -> memref<784x128xf32, #tpu.memory_space<hbm>>
      %dma_wait3A_39 = arith.constant 0 : i32
      %dma_wait3A_40 = tpu.memref_slice %arg4[%add3A_18, %dma_wait3A_39] : memref<100352x128xf32, #tpu.memory_space<hbm>> -> memref<784x128xf32, #tpu.memory_space<hbm>>
      tpu.wait_dma2 semaphore(%run_scoped3A : memref<!tpu.dma_semaphore, #tpu.memory_space<semaphore_mem>>) src(%arg6 : memref<784x128xf32, #tpu.memory_space<vmem>>) dst(%dma_wait3A_40 : memref<784x128xf32, #tpu.memory_space<hbm>>)
      tpu.yield
    }) : () -> ()
    %add3A_25 = arith.constant 2352 : i32
    %add3A_26 = arith.addi %mul3A_2, %add3A_25 : i32
    "tpu.region"() ({
      %run_scoped3A = tpu.sem_alloc : memref<!tpu.dma_semaphore, #tpu.memory_space<semaphore_mem>>
      %dma_start3A_33 = tpu.memref_slice %arg3[%add3A_26] : memref<100352xi32, #tpu.memory_space<hbm>> -> memref<784xi32, #tpu.memory_space<hbm>>
      %dma_start3A_34 = tpu.memref_slice %arg3[%add3A_26] : memref<100352xi32, #tpu.memory_space<hbm>> -> memref<784xi32, #tpu.memory_space<hbm>>
      tpu.enqueue_dma source(%dma_start3A_34 : memref<784xi32, #tpu.memory_space<hbm>>) target(%arg5 : memref<784xi32, #tpu.memory_space<vmem>>) target_semaphore(%run_scoped3A : memref<!tpu.dma_semaphore, #tpu.memory_space<semaphore_mem>>)
      %dma_wait3A_35 = tpu.memref_slice %arg3[%add3A_26] : memref<100352xi32, #tpu.memory_space<hbm>> -> memref<784xi32, #tpu.memory_space<hbm>>
      %dma_wait3A_36 = tpu.memref_slice %arg3[%add3A_26] : memref<100352xi32, #tpu.memory_space<hbm>> -> memref<784xi32, #tpu.memory_space<hbm>>
      tpu.wait_dma2 semaphore(%run_scoped3A : memref<!tpu.dma_semaphore, #tpu.memory_space<semaphore_mem>>) src(%dma_wait3A_36 : memref<784xi32, #tpu.memory_space<hbm>>) dst(%arg5 : memref<784xi32, #tpu.memory_space<vmem>>)
      tpu.yield
    }) : () -> ()
    %dma_start3A_27 = arith.constant 0 : i32
    %dma_start3A_28 = arith.constant 0 : i32
    %dma_start3A_29 = tpu.memref_slice %arg2[%dma_start3A_27, %dma_start3A_28] : memref<16x128xf32, #tpu.memory_space<hbm>> -> memref<16x128xf32, #tpu.memory_space<hbm>>
    tpu.enqueue_indirect_dma source(%dma_start3A_29 : memref<16x128xf32, #tpu.memory_space<hbm>>) target(%arg6 : memref<784x128xf32, #tpu.memory_space<vmem>>) offsets(%arg5 : memref<784xi32, #tpu.memory_space<vmem>>) semaphore(%arg7 : memref<!tpu.dma_semaphore, #tpu.memory_space<semaphore_mem>>)
    %dma_wait3A_30 = arith.constant 0 : i32
    %dma_wait3A_31 = arith.constant 0 : i32
    %dma_wait3A_32 = tpu.memref_slice %arg2[%dma_wait3A_30, %dma_wait3A_31] : memref<16x128xf32, #tpu.memory_space<hbm>> -> memref<16x128xf32, #tpu.memory_space<hbm>>
    tpu.wait_indirect_dma semaphore(%arg7 : memref<!tpu.dma_semaphore, #tpu.memory_space<semaphore_mem>>) src(%dma_wait3A_32 : memref<16x128xf32, #tpu.memory_space<hbm>>) dst(%arg6 : memref<784x128xf32, #tpu.memory_space<vmem>>)
    "tpu.region"() ({
      %run_scoped3A = tpu.sem_alloc : memref<!tpu.dma_semaphore, #tpu.memory_space<semaphore_mem>>
      %dma_start3A_33 = arith.constant 0 : i32
      %dma_start3A_34 = tpu.memref_slice %arg4[%add3A_26, %dma_start3A_33] : memref<100352x128xf32, #tpu.memory_space<hbm>> -> memref<784x128xf32, #tpu.memory_space<hbm>>
      %dma_start3A_35 = arith.constant 0 : i32
      %dma_start3A_36 = tpu.memref_slice %arg4[%add3A_26, %dma_start3A_35] : memref<100352x128xf32, #tpu.memory_space<hbm>> -> memref<784x128xf32, #tpu.memory_space<hbm>>
      tpu.enqueue_dma source(%arg6 : memref<784x128xf32, #tpu.memory_space<vmem>>) target(%dma_start3A_36 : memref<784x128xf32, #tpu.memory_space<hbm>>) target_semaphore(%run_scoped3A : memref<!tpu.dma_semaphore, #tpu.memory_space<semaphore_mem>>)
      %dma_wait3A_37 = arith.constant 0 : i32
      %dma_wait3A_38 = tpu.memref_slice %arg4[%add3A_26, %dma_wait3A_37] : memref<100352x128xf32, #tpu.memory_space<hbm>> -> memref<784x128xf32, #tpu.memory_space<hbm>>
      %dma_wait3A_39 = arith.constant 0 : i32
      %dma_wait3A_40 = tpu.memref_slice %arg4[%add3A_26, %dma_wait3A_39] : memref<100352x128xf32, #tpu.memory_space<hbm>> -> memref<784x128xf32, #tpu.memory_space<hbm>>
      tpu.wait_dma2 semaphore(%run_scoped3A : memref<!tpu.dma_semaphore, #tpu.memory_space<semaphore_mem>>) src(%arg6 : memref<784x128xf32, #tpu.memory_space<vmem>>) dst(%dma_wait3A_40 : memref<784x128xf32, #tpu.memory_space<hbm>>)
      tpu.yield
    }) : () -> ()
    return
  }
}

module attributes {stable_mosaic.version = 14 : i64} {
  func.func @_stage1_body(%arg0: i32, %arg1: memref<1024x64xf32, #tpu.memory_space<vmem>>, %arg2: memref<2048x64xf32, #tpu.memory_space<vmem>>, %arg3: memref<2048x64xf32, #tpu.memory_space<vmem>>, %arg4: memref<1024x64xf32, #tpu.memory_space<vmem>>, %arg5: memref<1024x1xf32, #tpu.memory_space<vmem>>, %arg6: memref<1024x1xf32, #tpu.memory_space<vmem>>, %arg7: memref<1024x64xf32, #tpu.memory_space<vmem>>) attributes {dimension_semantics = [#tpu.dimension_semantics<arbitrary>], iteration_bounds = array<i64: 98>, scalar_prefetch = 0 : i64, scratch_operands = 3 : i64, tpu.core_type = #tpu.core_type<tc>, window_params = [{pipeline_mode = #tpu.pipeline_mode<synchronous>, transform_indices = @transform_0, window_bounds = array<i64: 1024, 64>}, {transform_indices = @transform_1, window_bounds = array<i64: 2048, 64>}, {transform_indices = @transform_2, window_bounds = array<i64: 2048, 64>}, {pipeline_mode = #tpu.pipeline_mode<synchronous>, transform_indices = @transform_3, window_bounds = array<i64: 1024, 64>}]} {
    %rem3A = arith.constant 49 : i32
    %rem3A_0 = arith.remsi %arg0, %rem3A : i32
    %eq3A = arith.constant 0 : i32
    %eq3A_1 = arith.cmpi eq, %arg0, %eq3A : i32
    %convert_element_type3A = arith.extui %eq3A_1 : i1 to i32
    %cond3A = arith.constant 0 : i32
    %cond3A_2 = arith.cmpi ne, %convert_element_type3A, %cond3A : i32
    scf.if %cond3A_2 {
      %broadcast_in_dim3A_59 = arith.constant -1.000000e+30 : f32
      %broadcast_in_dim3A_60 = vector.broadcast %broadcast_in_dim3A_59 : f32 to vector<1024x1xf32>
      %swap3A = arith.constant 0 : index
      %swap3A_61 = arith.constant 0 : index
      %swap3A_62 = vector.load %arg5[%swap3A, %swap3A_61] : memref<1024x1xf32, #tpu.memory_space<vmem>>, vector<1024x1xf32>
      tpu.vector_store %arg5[%swap3A, %swap3A_61], %broadcast_in_dim3A_60 {strides = array<i32>} : memref<1024x1xf32, #tpu.memory_space<vmem>>, vector<1024x1xf32>,
      %broadcast_in_dim3A_63 = arith.constant 0.000000e+00 : f32
      %broadcast_in_dim3A_64 = vector.broadcast %broadcast_in_dim3A_63 : f32 to vector<1024x1xf32>
      %swap3A_65 = arith.constant 0 : index
      %swap3A_66 = arith.constant 0 : index
      %swap3A_67 = vector.load %arg6[%swap3A_65, %swap3A_66] : memref<1024x1xf32, #tpu.memory_space<vmem>>, vector<1024x1xf32>
      tpu.vector_store %arg6[%swap3A_65, %swap3A_66], %broadcast_in_dim3A_64 {strides = array<i32>} : memref<1024x1xf32, #tpu.memory_space<vmem>>, vector<1024x1xf32>,
      %broadcast_in_dim3A_68 = arith.constant 0.000000e+00 : f32
      %broadcast_in_dim3A_69 = vector.broadcast %broadcast_in_dim3A_68 : f32 to vector<1024x64xf32>
      %swap3A_70 = arith.constant 0 : index
      %swap3A_71 = arith.constant 0 : index
      %swap3A_72 = vector.load %arg7[%swap3A_70, %swap3A_71] : memref<1024x64xf32, #tpu.memory_space<vmem>>, vector<1024x64xf32>
      tpu.vector_store %arg7[%swap3A_70, %swap3A_71], %broadcast_in_dim3A_69 {strides = array<i32>} : memref<1024x64xf32, #tpu.memory_space<vmem>>, vector<1024x64xf32>,
    } else {
    }
    %get3A = arith.constant 0 : index
    %get3A_3 = arith.constant 0 : index
    %get3A_4 = vector.load %arg1[%get3A, %get3A_3] : memref<1024x64xf32, #tpu.memory_space<vmem>>, vector<1024x64xf32>
    %mul3A = arith.constant 2048 : i32
    %mul3A_5 = arith.muli %rem3A_0, %mul3A : i32
    %iota3A = tpu.iota {dimensions = array<i32: 0>} : vector<2048x1xi32>
    %add3A = vector.broadcast %mul3A_5 : i32 to vector<2048x1xi32>
    %add3A_6 = arith.addi %iota3A, %add3A : vector<2048x1xi32>
    %lt3A = arith.constant 100000 : i32
    %lt3A_7 = vector.broadcast %lt3A : i32 to vector<2048x1xi32>
    %lt3A_8 = arith.cmpi slt, %add3A_6, %lt3A_7 : vector<2048x1xi32>
    %get3A_9 = arith.constant 0 : index
    %get3A_10 = arith.constant 0 : index
    %get3A_11 = vector.load %arg2[%get3A_9, %get3A_10] : memref<2048x64xf32, #tpu.memory_space<vmem>>, vector<2048x64xf32>
    %jit3A = arith.constant 0.000000e+00 : f32
    %broadcast_in_dim3A = vector.shape_cast %lt3A_8 : vector<2048x1xi1> to vector<2048x1xi1>
    %broadcast_in_dim3A_12 = vector.broadcast %broadcast_in_dim3A : vector<2048x1xi1> to vector<2048x64xi1>
    %broadcast_in_dim3A_13 = vector.broadcast %jit3A : f32 to vector<2048x64xf32>
    %select_n3A = arith.select %broadcast_in_dim3A_12, %get3A_11, %broadcast_in_dim3A_13 : vector<2048x64xi1>, vector<2048x64xf32>
    %iota3A_14 = tpu.iota {dimensions = array<i32: 1>} : vector<1x2048xi32>
    %add3A_15 = vector.broadcast %mul3A_5 : i32 to vector<1x2048xi32>
    %add3A_16 = arith.addi %iota3A_14, %add3A_15 : vector<1x2048xi32>
    %lt3A_17 = arith.constant 100000 : i32
    %lt3A_18 = vector.broadcast %lt3A_17 : i32 to vector<1x2048xi32>
    %lt3A_19 = arith.cmpi slt, %add3A_16, %lt3A_18 : vector<1x2048xi32>
    %jit3A_20 = arith.constant 0.000000e+00 : f32
    %jit3A_21 = arith.constant 9.99999995E+11 : f32
    %broadcast_in_dim3A_22 = vector.broadcast %jit3A_20 : f32 to vector<1x2048xf32>
    %broadcast_in_dim3A_23 = vector.broadcast %jit3A_21 : f32 to vector<1x2048xf32>
    %select_n3A_24 = arith.select %lt3A_19, %broadcast_in_dim3A_22, %broadcast_in_dim3A_23 : vector<1x2048xi1>, vector<1x2048xf32>
    %mul3A_25 = arith.mulf %get3A_4, %get3A_4 : vector<1024x64xf32>
    %reduce_sum3A = arith.constant dense<0.000000e+00> : vector<1024xf32>
    %reduce_sum3A_26 = vector.multi_reduction <add>, %mul3A_25, %reduce_sum3A [1] : vector<1024x64xf32> to vector<1024xf32>
    %broadcast_in_dim3A_27 = vector.shape_cast %reduce_sum3A_26 : vector<1024xf32> to vector<1024x1xf32>
    %mul3A_28 = arith.mulf %select_n3A, %select_n3A : vector<2048x64xf32>
    %reduce_sum3A_29 = arith.constant dense<0.000000e+00> : vector<2048xf32>
    %reduce_sum3A_30 = vector.multi_reduction <add>, %mul3A_28, %reduce_sum3A_29 [1] : vector<2048x64xf32> to vector<2048xf32>
    %broadcast_in_dim3A_31 = vector.shape_cast %reduce_sum3A_30 : vector<2048xf32> to vector<2048x1xf32>
    %transpose3A = tpu.transpose %broadcast_in_dim3A_31, [1, 0] : vector<2048x1xf32> -> vector<1x2048xf32>
    %add3A_32 = arith.addf %get3A_4, %get3A_4 : vector<1024x64xf32>
    %convert_element_type3A_33 = arith.truncf %add3A_32 : vector<1024x64xf32> to vector<1024x64xbf16>
    %convert_element_type3A_34 = arith.truncf %select_n3A : vector<2048x64xf32> to vector<2048x64xbf16>
    %dot_general3A = arith.constant dense<0.000000e+00> : vector<1024x2048xf32>
    %dot_general3A_35 = tpu.matmul %convert_element_type3A_33, %convert_element_type3A_34, %dot_general3A {dimension_numbers = #tpu.dot_dimension_numbers<[1], [1], [0], [0], [0, 0, 1, 0], [], []>, transpose_lhs_hint = false} : vector<1024x64xbf16>, vector<2048x64xbf16>, vector<1024x2048xf32> -> vector<1024x2048xf32>
    %add3A_36 = arith.addf %transpose3A, %select_n3A_24 : vector<1x2048xf32>
    %add3A_37 = vector.broadcast %broadcast_in_dim3A_27 : vector<1024x1xf32> to vector<1024x2048xf32>
    %add3A_38 = vector.broadcast %add3A_36 : vector<1x2048xf32> to vector<1024x2048xf32>
    %add3A_39 = arith.addf %add3A_37, %add3A_38 : vector<1024x2048xf32>
    %sub3A = arith.subf %add3A_39, %dot_general3A_35 : vector<1024x2048xf32>
    %max3A = arith.constant 9.99999996E-13 : f32
    %max3A_40 = vector.broadcast %max3A : f32 to vector<1024x2048xf32>
    %max3A_41 = arith.maximumf %sub3A, %max3A_40 : vector<1024x2048xf32>
    %sqrt3A = math.sqrt %max3A_41 : vector<1024x2048xf32>
    %mul3A_42 = arith.constant -1.000000e+01 : f32
    %mul3A_43 = vector.broadcast %mul3A_42 : f32 to vector<1024x2048xf32>
    %mul3A_44 = arith.mulf %mul3A_43, %sqrt3A : vector<1024x2048xf32>
    %lt3A_45 = arith.constant 49 : i32
    %lt3A_46 = arith.cmpi slt, %arg0, %lt3A_45 : i32
    %convert_element_type3A_47 = arith.extui %lt3A_46 : i1 to i32
    %cond3A_48 = arith.constant 0 : i32
    %cond3A_49 = arith.cmpi ne, %convert_element_type3A_47, %cond3A_48 : i32
    scf.if %cond3A_49 {
      %get3A_59 = arith.constant 0 : index
      %get3A_60 = arith.constant 0 : index
      %get3A_61 = vector.load %arg5[%get3A_59, %get3A_60] : memref<1024x1xf32, #tpu.memory_space<vmem>>, vector<1024x1xf32>
      %reduce_max3A = arith.constant dense<0xFF800000> : vector<1024xf32>
      %reduce_max3A_62 = vector.multi_reduction <maximumf>, %mul3A_44, %reduce_max3A [1] : vector<1024x2048xf32> to vector<1024xf32>
      %broadcast_in_dim3A_63 = vector.shape_cast %reduce_max3A_62 : vector<1024xf32> to vector<1024x1xf32>
      %max3A_64 = arith.maximumf %get3A_61, %broadcast_in_dim3A_63 : vector<1024x1xf32>
      %sub3A_65 = arith.subf %get3A_61, %max3A_64 : vector<1024x1xf32>
      %exp3A = math.exp %sub3A_65 : vector<1024x1xf32>
      %sub3A_66 = vector.broadcast %max3A_64 : vector<1024x1xf32> to vector<1024x2048xf32>
      %sub3A_67 = arith.subf %mul3A_44, %sub3A_66 : vector<1024x2048xf32>
      %exp3A_68 = math.exp %sub3A_67 : vector<1024x2048xf32>
      %swap3A = arith.constant 0 : index
      %swap3A_69 = arith.constant 0 : index
      %swap3A_70 = vector.load %arg5[%swap3A, %swap3A_69] : memref<1024x1xf32, #tpu.memory_space<vmem>>, vector<1024x1xf32>
      tpu.vector_store %arg5[%swap3A, %swap3A_69], %max3A_64 {strides = array<i32>} : memref<1024x1xf32, #tpu.memory_space<vmem>>, vector<1024x1xf32>,
      %get3A_71 = arith.constant 0 : index
      %get3A_72 = arith.constant 0 : index
      %get3A_73 = vector.load %arg6[%get3A_71, %get3A_72] : memref<1024x1xf32, #tpu.memory_space<vmem>>, vector<1024x1xf32>
      %mul3A_74 = arith.mulf %get3A_73, %exp3A : vector<1024x1xf32>
      %reduce_sum3A_75 = arith.constant dense<0.000000e+00> : vector<1024xf32>
      %reduce_sum3A_76 = vector.multi_reduction <add>, %exp3A_68, %reduce_sum3A_75 [1] : vector<1024x2048xf32> to vector<1024xf32>
      %broadcast_in_dim3A_77 = vector.shape_cast %reduce_sum3A_76 : vector<1024xf32> to vector<1024x1xf32>
      %add3A_78 = arith.addf %mul3A_74, %broadcast_in_dim3A_77 : vector<1024x1xf32>
      %swap3A_79 = arith.constant 0 : index
      %swap3A_80 = arith.constant 0 : index
      %swap3A_81 = vector.load %arg6[%swap3A_79, %swap3A_80] : memref<1024x1xf32, #tpu.memory_space<vmem>>, vector<1024x1xf32>
      tpu.vector_store %arg6[%swap3A_79, %swap3A_80], %add3A_78 {strides = array<i32>} : memref<1024x1xf32, #tpu.memory_space<vmem>>, vector<1024x1xf32>,
    } else {
    }
    %ge3A = arith.constant 49 : i32
    %ge3A_50 = arith.cmpi sge, %arg0, %ge3A : i32
    %convert_element_type3A_51 = arith.extui %ge3A_50 : i1 to i32
    %cond3A_52 = arith.constant 0 : i32
    %cond3A_53 = arith.cmpi ne, %convert_element_type3A_51, %cond3A_52 : i32
    scf.if %cond3A_53 {
      %get3A_59 = arith.constant 0 : index
      %get3A_60 = arith.constant 0 : index
      %get3A_61 = vector.load %arg5[%get3A_59, %get3A_60] : memref<1024x1xf32, #tpu.memory_space<vmem>>, vector<1024x1xf32>
      %sub3A_62 = vector.broadcast %get3A_61 : vector<1024x1xf32> to vector<1024x2048xf32>
      %sub3A_63 = arith.subf %mul3A_44, %sub3A_62 : vector<1024x2048xf32>
      %exp3A = math.exp %sub3A_63 : vector<1024x2048xf32>
      %get3A_64 = arith.constant 0 : index
      %get3A_65 = arith.constant 0 : index
      %get3A_66 = vector.load %arg6[%get3A_64, %get3A_65] : memref<1024x1xf32, #tpu.memory_space<vmem>>, vector<1024x1xf32>
      %div3A = vector.broadcast %get3A_66 : vector<1024x1xf32> to vector<1024x2048xf32>
      %div3A_67 = arith.divf %exp3A, %div3A : vector<1024x2048xf32>
      %get3A_68 = arith.constant 0 : index
      %get3A_69 = arith.constant 0 : index
      %get3A_70 = vector.load %arg3[%get3A_68, %get3A_69] : memref<2048x64xf32, #tpu.memory_space<vmem>>, vector<2048x64xf32>
      %jit3A_71 = arith.constant 0.000000e+00 : f32
      %broadcast_in_dim3A_72 = vector.shape_cast %lt3A_8 : vector<2048x1xi1> to vector<2048x1xi1>
      %broadcast_in_dim3A_73 = vector.broadcast %broadcast_in_dim3A_72 : vector<2048x1xi1> to vector<2048x64xi1>
      %broadcast_in_dim3A_74 = vector.broadcast %jit3A_71 : f32 to vector<2048x64xf32>
      %select_n3A_75 = arith.select %broadcast_in_dim3A_73, %get3A_70, %broadcast_in_dim3A_74 : vector<2048x64xi1>, vector<2048x64xf32>
      %get3A_76 = arith.constant 0 : index
      %get3A_77 = arith.constant 0 : index
      %get3A_78 = vector.load %arg7[%get3A_76, %get3A_77] : memref<1024x64xf32, #tpu.memory_space<vmem>>, vector<1024x64xf32>
      %convert_element_type3A_79 = arith.truncf %div3A_67 : vector<1024x2048xf32> to vector<1024x2048xbf16>
      %convert_element_type3A_80 = arith.truncf %select_n3A_75 : vector<2048x64xf32> to vector<2048x64xbf16>
      %dot_general3A_81 = arith.constant dense<0.000000e+00> : vector<1024x64xf32>
      %dot_general3A_82 = tpu.matmul %convert_element_type3A_79, %convert_element_type3A_80, %dot_general3A_81 {dimension_numbers = #tpu.dot_dimension_numbers<[1], [0], [0], [1], [0, 0, 1, 1], [], []>, transpose_lhs_hint = false} : vector<1024x2048xbf16>, vector<2048x64xbf16>, vector<1024x64xf32> -> vector<1024x64xf32>
      %add3A_83 = arith.addf %get3A_78, %dot_general3A_82 : vector<1024x64xf32>
      %swap3A = arith.constant 0 : index
      %swap3A_84 = arith.constant 0 : index
      %swap3A_85 = vector.load %arg7[%swap3A, %swap3A_84] : memref<1024x64xf32, #tpu.memory_space<vmem>>, vector<1024x64xf32>
      tpu.vector_store %arg7[%swap3A, %swap3A_84], %add3A_83 {strides = array<i32>} : memref<1024x64xf32, #tpu.memory_space<vmem>>, vector<1024x64xf32>,
    } else {
    }
    %eq3A_54 = arith.constant 97 : i32
    %eq3A_55 = arith.cmpi eq, %arg0, %eq3A_54 : i32
    %convert_element_type3A_56 = arith.extui %eq3A_55 : i1 to i32
    %cond3A_57 = arith.constant 0 : i32
    %cond3A_58 = arith.cmpi ne, %convert_element_type3A_56, %cond3A_57 : i32
    scf.if %cond3A_58 {
      %get3A_59 = arith.constant 0 : index
      %get3A_60 = arith.constant 0 : index
      %get3A_61 = vector.load %arg7[%get3A_59, %get3A_60] : memref<1024x64xf32, #tpu.memory_space<vmem>>, vector<1024x64xf32>
      %swap3A = arith.constant 0 : index
      %swap3A_62 = arith.constant 0 : index
      %swap3A_63 = vector.load %arg4[%swap3A, %swap3A_62] : memref<1024x64xf32, #tpu.memory_space<vmem>>, vector<1024x64xf32>
      tpu.vector_store %arg4[%swap3A, %swap3A_62], %get3A_61 {strides = array<i32>} : memref<1024x64xf32, #tpu.memory_space<vmem>>, vector<1024x64xf32>,
    } else {
    }
    return
  }
  func.func @transform_0(%arg0: i32) -> (i32, i32) {
    %c0_i32 = arith.constant 0 : i32
    %c0_i32_0 = arith.constant 0 : i32
    %c0_i32_1 = arith.constant 0 : i32
    return %c0_i32, %c0_i32_0 : i32, i32
  }
  func.func @transform_1(%arg0: i32) -> (i32, i32) {
    %rem3A = arith.constant 49 : i32
    %rem3A_0 = arith.remsi %arg0, %rem3A : i32
    %c0_i32 = arith.constant 0 : i32
    %c0_i32_1 = arith.constant 0 : i32
    return %rem3A_0, %c0_i32 : i32, i32
  }
  func.func @transform_2(%arg0: i32) -> (i32, i32) {
    %rem3A = arith.constant 49 : i32
    %rem3A_0 = arith.remsi %arg0, %rem3A : i32
    %c0_i32 = arith.constant 0 : i32
    %c0_i32_1 = arith.constant 0 : i32
    return %rem3A_0, %c0_i32 : i32, i32
  }
  func.func @transform_3(%arg0: i32) -> (i32, i32) {
    %c0_i32 = arith.constant 0 : i32
    %c0_i32_0 = arith.constant 0 : i32
    %c0_i32_1 = arith.constant 0 : i32
    return %c0_i32, %c0_i32_0 : i32, i32
  }
}

module attributes {stable_mosaic.version = 14 : i64} {
  func.func @_stage2_body(%arg0: i32, %arg1: memref<1024x64xf32, #tpu.memory_space<vmem>>, %arg2: memref<2048x64xf32, #tpu.memory_space<vmem>>, %arg3: memref<2048x10xf32, #tpu.memory_space<vmem>>, %arg4: memref<2048x128xf32, #tpu.memory_space<vmem>>, %arg5: memref<1024x128xf32, #tpu.memory_space<vmem>>, %arg6: memref<1024x10xf32, #tpu.memory_space<vmem>>, %arg7: memref<1024x1xf32, #tpu.memory_space<vmem>>, %arg8: memref<1024x1xf32, #tpu.memory_space<vmem>>, %arg9: memref<1024x10xf32, #tpu.memory_space<vmem>>) attributes {dimension_semantics = [#tpu.dimension_semantics<arbitrary>], iteration_bounds = array<i64: 49>, scalar_prefetch = 0 : i64, scratch_operands = 3 : i64, tpu.core_type = #tpu.core_type<tc>, window_params = [{pipeline_mode = #tpu.pipeline_mode<synchronous>, transform_indices = @transform_0, window_bounds = array<i64: 1024, 64>}, {transform_indices = @transform_1, window_bounds = array<i64: 2048, 64>}, {transform_indices = @transform_2, window_bounds = array<i64: 2048, 10>}, {transform_indices = @transform_3, window_bounds = array<i64: 2048, 128>}, {pipeline_mode = #tpu.pipeline_mode<synchronous>, transform_indices = @transform_4, window_bounds = array<i64: 1024, 128>}, {pipeline_mode = #tpu.pipeline_mode<synchronous>, transform_indices = @transform_5, window_bounds = array<i64: 1024, 10>}]} {
    %mul3A = arith.constant 2048 : i32
    %mul3A_0 = arith.muli %arg0, %mul3A : i32
    %eq3A = arith.constant 0 : i32
    %eq3A_1 = arith.cmpi eq, %arg0, %eq3A : i32
    %convert_element_type3A = arith.extui %eq3A_1 : i1 to i32
    %cond3A = arith.constant 0 : i32
    %cond3A_2 = arith.cmpi ne, %convert_element_type3A, %cond3A : i32
    scf.if %cond3A_2 {
      %broadcast_in_dim3A_104 = arith.constant -1.000000e+30 : f32
      %broadcast_in_dim3A_105 = vector.broadcast %broadcast_in_dim3A_104 : f32 to vector<1024x1xf32>
      %swap3A_106 = arith.constant 0 : index
      %swap3A_107 = arith.constant 0 : index
      %swap3A_108 = vector.load %arg7[%swap3A_106, %swap3A_107] : memref<1024x1xf32, #tpu.memory_space<vmem>>, vector<1024x1xf32>
      tpu.vector_store %arg7[%swap3A_106, %swap3A_107], %broadcast_in_dim3A_105 {strides = array<i32>} : memref<1024x1xf32, #tpu.memory_space<vmem>>, vector<1024x1xf32>,
      %broadcast_in_dim3A_109 = arith.constant 0.000000e+00 : f32
      %broadcast_in_dim3A_110 = vector.broadcast %broadcast_in_dim3A_109 : f32 to vector<1024x1xf32>
      %swap3A_111 = arith.constant 0 : index
      %swap3A_112 = arith.constant 0 : index
      %swap3A_113 = vector.load %arg8[%swap3A_111, %swap3A_112] : memref<1024x1xf32, #tpu.memory_space<vmem>>, vector<1024x1xf32>
      tpu.vector_store %arg8[%swap3A_111, %swap3A_112], %broadcast_in_dim3A_110 {strides = array<i32>} : memref<1024x1xf32, #tpu.memory_space<vmem>>, vector<1024x1xf32>,
      %broadcast_in_dim3A_114 = arith.constant 0.000000e+00 : f32
      %broadcast_in_dim3A_115 = vector.broadcast %broadcast_in_dim3A_114 : f32 to vector<1024x10xf32>
      %swap3A_116 = arith.constant 0 : index
      %swap3A_117 = arith.constant 0 : index
      %swap3A_118 = vector.load %arg9[%swap3A_116, %swap3A_117] : memref<1024x10xf32, #tpu.memory_space<vmem>>, vector<1024x10xf32>
      tpu.vector_store %arg9[%swap3A_116, %swap3A_117], %broadcast_in_dim3A_115 {strides = array<i32>} : memref<1024x10xf32, #tpu.memory_space<vmem>>, vector<1024x10xf32>,
    } else {
    }
    %get3A = arith.constant 0 : index
    %get3A_3 = arith.constant 0 : index
    %get3A_4 = vector.load %arg1[%get3A, %get3A_3] : memref<1024x64xf32, #tpu.memory_space<vmem>>, vector<1024x64xf32>
    %iota3A = tpu.iota {dimensions = array<i32: 0>} : vector<2048x1xi32>
    %add3A = vector.broadcast %mul3A_0 : i32 to vector<2048x1xi32>
    %add3A_5 = arith.addi %iota3A, %add3A : vector<2048x1xi32>
    %lt3A = arith.constant 100000 : i32
    %lt3A_6 = vector.broadcast %lt3A : i32 to vector<2048x1xi32>
    %lt3A_7 = arith.cmpi slt, %add3A_5, %lt3A_6 : vector<2048x1xi32>
    %get3A_8 = arith.constant 0 : index
    %get3A_9 = arith.constant 0 : index
    %get3A_10 = vector.load %arg2[%get3A_8, %get3A_9] : memref<2048x64xf32, #tpu.memory_space<vmem>>, vector<2048x64xf32>
    %jit3A = arith.constant 0.000000e+00 : f32
    %broadcast_in_dim3A = vector.shape_cast %lt3A_7 : vector<2048x1xi1> to vector<2048x1xi1>
    %broadcast_in_dim3A_11 = vector.broadcast %broadcast_in_dim3A : vector<2048x1xi1> to vector<2048x64xi1>
    %broadcast_in_dim3A_12 = vector.broadcast %jit3A : f32 to vector<2048x64xf32>
    %select_n3A = arith.select %broadcast_in_dim3A_11, %get3A_10, %broadcast_in_dim3A_12 : vector<2048x64xi1>, vector<2048x64xf32>
    %iota3A_13 = tpu.iota {dimensions = array<i32: 1>} : vector<1x2048xi32>
    %add3A_14 = vector.broadcast %mul3A_0 : i32 to vector<1x2048xi32>
    %add3A_15 = arith.addi %iota3A_13, %add3A_14 : vector<1x2048xi32>
    %lt3A_16 = arith.constant 100000 : i32
    %lt3A_17 = vector.broadcast %lt3A_16 : i32 to vector<1x2048xi32>
    %lt3A_18 = arith.cmpi slt, %add3A_15, %lt3A_17 : vector<1x2048xi32>
    %jit3A_19 = arith.constant 0.000000e+00 : f32
    %jit3A_20 = arith.constant 9.99999995E+11 : f32
    %broadcast_in_dim3A_21 = vector.broadcast %jit3A_19 : f32 to vector<1x2048xf32>
    %broadcast_in_dim3A_22 = vector.broadcast %jit3A_20 : f32 to vector<1x2048xf32>
    %select_n3A_23 = arith.select %lt3A_18, %broadcast_in_dim3A_21, %broadcast_in_dim3A_22 : vector<1x2048xi1>, vector<1x2048xf32>
    %mul3A_24 = arith.mulf %get3A_4, %get3A_4 : vector<1024x64xf32>
    %reduce_sum3A = arith.constant dense<0.000000e+00> : vector<1024xf32>
    %reduce_sum3A_25 = vector.multi_reduction <add>, %mul3A_24, %reduce_sum3A [1] : vector<1024x64xf32> to vector<1024xf32>
    %broadcast_in_dim3A_26 = vector.shape_cast %reduce_sum3A_25 : vector<1024xf32> to vector<1024x1xf32>
    %mul3A_27 = arith.mulf %select_n3A, %select_n3A : vector<2048x64xf32>
    %reduce_sum3A_28 = arith.constant dense<0.000000e+00> : vector<2048xf32>
    %reduce_sum3A_29 = vector.multi_reduction <add>, %mul3A_27, %reduce_sum3A_28 [1] : vector<2048x64xf32> to vector<2048xf32>
    %broadcast_in_dim3A_30 = vector.shape_cast %reduce_sum3A_29 : vector<2048xf32> to vector<2048x1xf32>
    %transpose3A = tpu.transpose %broadcast_in_dim3A_30, [1, 0] : vector<2048x1xf32> -> vector<1x2048xf32>
    %add3A_31 = arith.addf %get3A_4, %get3A_4 : vector<1024x64xf32>
    %convert_element_type3A_32 = arith.truncf %add3A_31 : vector<1024x64xf32> to vector<1024x64xbf16>
    %convert_element_type3A_33 = arith.truncf %select_n3A : vector<2048x64xf32> to vector<2048x64xbf16>
    %dot_general3A = arith.constant dense<0.000000e+00> : vector<1024x2048xf32>
    %dot_general3A_34 = tpu.matmul %convert_element_type3A_32, %convert_element_type3A_33, %dot_general3A {dimension_numbers = #tpu.dot_dimension_numbers<[1], [1], [0], [0], [0, 0, 1, 0], [], []>, transpose_lhs_hint = false} : vector<1024x64xbf16>, vector<2048x64xbf16>, vector<1024x2048xf32> -> vector<1024x2048xf32>
    %add3A_35 = arith.addf %transpose3A, %select_n3A_23 : vector<1x2048xf32>
    %add3A_36 = vector.broadcast %broadcast_in_dim3A_26 : vector<1024x1xf32> to vector<1024x2048xf32>
    %add3A_37 = vector.broadcast %add3A_35 : vector<1x2048xf32> to vector<1024x2048xf32>
    %add3A_38 = arith.addf %add3A_36, %add3A_37 : vector<1024x2048xf32>
    %sub3A = arith.subf %add3A_38, %dot_general3A_34 : vector<1024x2048xf32>
    %max3A = arith.constant 9.99999996E-13 : f32
    %max3A_39 = vector.broadcast %max3A : f32 to vector<1024x2048xf32>
    %max3A_40 = arith.maximumf %sub3A, %max3A_39 : vector<1024x2048xf32>
    %sqrt3A = math.sqrt %max3A_40 : vector<1024x2048xf32>
    %mul3A_41 = arith.constant -1.000000e+01 : f32
    %mul3A_42 = vector.broadcast %mul3A_41 : f32 to vector<1024x2048xf32>
    %mul3A_43 = arith.mulf %mul3A_42, %sqrt3A : vector<1024x2048xf32>
    %get3A_44 = arith.constant 0 : index
    %get3A_45 = arith.constant 0 : index
    %get3A_46 = vector.load %arg3[%get3A_44, %get3A_45] : memref<2048x10xf32, #tpu.memory_space<vmem>>, vector<2048x10xf32>
    %jit3A_47 = arith.constant 0.000000e+00 : f32
    %broadcast_in_dim3A_48 = vector.shape_cast %lt3A_7 : vector<2048x1xi1> to vector<2048x1xi1>
    %broadcast_in_dim3A_49 = vector.broadcast %broadcast_in_dim3A_48 : vector<2048x1xi1> to vector<2048x10xi1>
    %broadcast_in_dim3A_50 = vector.broadcast %jit3A_47 : f32 to vector<2048x10xf32>
    %select_n3A_51 = arith.select %broadcast_in_dim3A_49, %get3A_46, %broadcast_in_dim3A_50 : vector<2048x10xi1>, vector<2048x10xf32>
    %get3A_52 = arith.constant 0 : index
    %get3A_53 = arith.constant 0 : index
    %get3A_54 = vector.load %arg5[%get3A_52, %get3A_53] : memref<1024x128xf32, #tpu.memory_space<vmem>>, vector<1024x128xf32>
    %get3A_55 = arith.constant 0 : index
    %get3A_56 = arith.constant 0 : index
    %get3A_57 = vector.load %arg4[%get3A_55, %get3A_56] : memref<2048x128xf32, #tpu.memory_space<vmem>>, vector<2048x128xf32>
    %convert_element_type3A_58 = arith.truncf %get3A_54 : vector<1024x128xf32> to vector<1024x128xbf16>
    %convert_element_type3A_59 = arith.truncf %get3A_57 : vector<2048x128xf32> to vector<2048x128xbf16>
    %dot_general3A_60 = arith.constant dense<0.000000e+00> : vector<1024x2048xf32>
    %dot_general3A_61 = tpu.matmul %convert_element_type3A_58, %convert_element_type3A_59, %dot_general3A_60 {dimension_numbers = #tpu.dot_dimension_numbers<[1], [1], [0], [0], [0, 0, 1, 0], [], []>, transpose_lhs_hint = false} : vector<1024x128xbf16>, vector<2048x128xbf16>, vector<1024x2048xf32> -> vector<1024x2048xf32>
    %get3A_62 = arith.constant 0 : index
    %get3A_63 = arith.constant 0 : index
    %get3A_64 = vector.load %arg7[%get3A_62, %get3A_63] : memref<1024x1xf32, #tpu.memory_space<vmem>>, vector<1024x1xf32>
    %reduce_max3A = arith.constant dense<0xFF800000> : vector<1024xf32>
    %reduce_max3A_65 = vector.multi_reduction <maximumf>, %mul3A_43, %reduce_max3A [1] : vector<1024x2048xf32> to vector<1024xf32>
    %broadcast_in_dim3A_66 = vector.shape_cast %reduce_max3A_65 : vector<1024xf32> to vector<1024x1xf32>
    %max3A_67 = arith.maximumf %get3A_64, %broadcast_in_dim3A_66 : vector<1024x1xf32>
    %sub3A_68 = arith.subf %get3A_64, %max3A_67 : vector<1024x1xf32>
    %exp3A = math.exp %sub3A_68 : vector<1024x1xf32>
    %sub3A_69 = vector.broadcast %max3A_67 : vector<1024x1xf32> to vector<1024x2048xf32>
    %sub3A_70 = arith.subf %mul3A_43, %sub3A_69 : vector<1024x2048xf32>
    %exp3A_71 = math.exp %sub3A_70 : vector<1024x2048xf32>
    %mul3A_72 = arith.mulf %exp3A_71, %dot_general3A_61 : vector<1024x2048xf32>
    %swap3A = arith.constant 0 : index
    %swap3A_73 = arith.constant 0 : index
    %swap3A_74 = vector.load %arg7[%swap3A, %swap3A_73] : memref<1024x1xf32, #tpu.memory_space<vmem>>, vector<1024x1xf32>
    tpu.vector_store %arg7[%swap3A, %swap3A_73], %max3A_67 {strides = array<i32>} : memref<1024x1xf32, #tpu.memory_space<vmem>>, vector<1024x1xf32>,
    %get3A_75 = arith.constant 0 : index
    %get3A_76 = arith.constant 0 : index
    %get3A_77 = vector.load %arg8[%get3A_75, %get3A_76] : memref<1024x1xf32, #tpu.memory_space<vmem>>, vector<1024x1xf32>
    %mul3A_78 = arith.mulf %get3A_77, %exp3A : vector<1024x1xf32>
    %reduce_sum3A_79 = arith.constant dense<0.000000e+00> : vector<1024xf32>
    %reduce_sum3A_80 = vector.multi_reduction <add>, %mul3A_72, %reduce_sum3A_79 [1] : vector<1024x2048xf32> to vector<1024xf32>
    %broadcast_in_dim3A_81 = vector.shape_cast %reduce_sum3A_80 : vector<1024xf32> to vector<1024x1xf32>
    %add3A_82 = arith.addf %mul3A_78, %broadcast_in_dim3A_81 : vector<1024x1xf32>
    %swap3A_83 = arith.constant 0 : index
    %swap3A_84 = arith.constant 0 : index
    %swap3A_85 = vector.load %arg8[%swap3A_83, %swap3A_84] : memref<1024x1xf32, #tpu.memory_space<vmem>>, vector<1024x1xf32>
    tpu.vector_store %arg8[%swap3A_83, %swap3A_84], %add3A_82 {strides = array<i32>} : memref<1024x1xf32, #tpu.memory_space<vmem>>, vector<1024x1xf32>,
    %get3A_86 = arith.constant 0 : index
    %get3A_87 = arith.constant 0 : index
    %get3A_88 = vector.load %arg9[%get3A_86, %get3A_87] : memref<1024x10xf32, #tpu.memory_space<vmem>>, vector<1024x10xf32>
    %mul3A_89 = vector.broadcast %exp3A : vector<1024x1xf32> to vector<1024x10xf32>
    %mul3A_90 = arith.mulf %get3A_88, %mul3A_89 : vector<1024x10xf32>
    %convert_element_type3A_91 = arith.truncf %mul3A_72 : vector<1024x2048xf32> to vector<1024x2048xbf16>
    %convert_element_type3A_92 = arith.truncf %select_n3A_51 : vector<2048x10xf32> to vector<2048x10xbf16>
    %dot_general3A_93 = arith.constant dense<0.000000e+00> : vector<1024x10xf32>
    %dot_general3A_94 = tpu.matmul %convert_element_type3A_91, %convert_element_type3A_92, %dot_general3A_93 {dimension_numbers = #tpu.dot_dimension_numbers<[1], [0], [0], [1], [0, 0, 1, 1], [], []>, transpose_lhs_hint = false} : vector<1024x2048xbf16>, vector<2048x10xbf16>, vector<1024x10xf32> -> vector<1024x10xf32>
    %add3A_95 = arith.addf %mul3A_90, %dot_general3A_94 : vector<1024x10xf32>
    %swap3A_96 = arith.constant 0 : index
    %swap3A_97 = arith.constant 0 : index
    %swap3A_98 = vector.load %arg9[%swap3A_96, %swap3A_97] : memref<1024x10xf32, #tpu.memory_space<vmem>>, vector<1024x10xf32>
    tpu.vector_store %arg9[%swap3A_96, %swap3A_97], %add3A_95 {strides = array<i32>} : memref<1024x10xf32, #tpu.memory_space<vmem>>, vector<1024x10xf32>,
    %eq3A_99 = arith.constant 48 : i32
    %eq3A_100 = arith.cmpi eq, %arg0, %eq3A_99 : i32
    %convert_element_type3A_101 = arith.extui %eq3A_100 : i1 to i32
    %cond3A_102 = arith.constant 0 : i32
    %cond3A_103 = arith.cmpi ne, %convert_element_type3A_101, %cond3A_102 : i32
    scf.if %cond3A_103 {
      %get3A_104 = arith.constant 0 : index
      %get3A_105 = arith.constant 0 : index
      %get3A_106 = vector.load %arg9[%get3A_104, %get3A_105] : memref<1024x10xf32, #tpu.memory_space<vmem>>, vector<1024x10xf32>
      %get3A_107 = arith.constant 0 : index
      %get3A_108 = arith.constant 0 : index
      %get3A_109 = vector.load %arg8[%get3A_107, %get3A_108] : memref<1024x1xf32, #tpu.memory_space<vmem>>, vector<1024x1xf32>
      %div3A = vector.broadcast %get3A_109 : vector<1024x1xf32> to vector<1024x10xf32>
      %div3A_110 = arith.divf %get3A_106, %div3A : vector<1024x10xf32>
      %swap3A_111 = arith.constant 0 : index
      %swap3A_112 = arith.constant 0 : index
      %swap3A_113 = vector.load %arg6[%swap3A_111, %swap3A_112] : memref<1024x10xf32, #tpu.memory_space<vmem>>, vector<1024x10xf32>
      tpu.vector_store %arg6[%swap3A_111, %swap3A_112], %div3A_110 {strides = array<i32>} : memref<1024x10xf32, #tpu.memory_space<vmem>>, vector<1024x10xf32>,
    } else {
    }
    return
  }
  func.func @transform_0(%arg0: i32) -> (i32, i32) {
    %c0_i32 = arith.constant 0 : i32
    %c0_i32_0 = arith.constant 0 : i32
    %c0_i32_1 = arith.constant 0 : i32
    return %c0_i32, %c0_i32_0 : i32, i32
  }
  func.func @transform_1(%arg0: i32) -> (i32, i32) {
    %c0_i32 = arith.constant 0 : i32
    %c0_i32_0 = arith.constant 0 : i32
    return %arg0, %c0_i32 : i32, i32
  }
  func.func @transform_2(%arg0: i32) -> (i32, i32) {
    %c0_i32 = arith.constant 0 : i32
    %c0_i32_0 = arith.constant 0 : i32
    return %arg0, %c0_i32 : i32, i32
  }
  func.func @transform_3(%arg0: i32) -> (i32, i32) {
    %c0_i32 = arith.constant 0 : i32
    %c0_i32_0 = arith.constant 0 : i32
    return %arg0, %c0_i32 : i32, i32
  }
  func.func @transform_4(%arg0: i32) -> (i32, i32) {
    %c0_i32 = arith.constant 0 : i32
    %c0_i32_0 = arith.constant 0 : i32
    %c0_i32_1 = arith.constant 0 : i32
    return %c0_i32, %c0_i32_0 : i32, i32
  }
  func.func @transform_5(%arg0: i32) -> (i32, i32) {
    %c0_i32 = arith.constant 0 : i32
    %c0_i32_0 = arith.constant 0 : i32
    %c0_i32_1 = arith.constant 0 : i32
    return %c0_i32, %c0_i32_0 : i32, i32
  }
}

</mosaic_0001>

<sc_bundles>
// kernel: kernel.5.cloned.1.call-start
scs
__scs_entry_jumppad:
0x0: {  	(pc) =	sbr.rel $0x88, $3  }
0x1: {  	(tag) =	ssettag $0x0;
	lr =	simm.s32 $0x1  }
0x2: {  	[smem:$0x3F99] =	sst lr;
	_ =	strace $0xD0000000  }
0x3: {  	_ = 	snop  }
0x4: {  	_ = 	snop  }
0x5: {  	_ = 	snop  }
0x6: {  	_ = 	snop  }
0x7: {  	_ = 	snop  }
__scs_overlays_trampoline_lowered:
0x8: {  	[smem:$0x3FA8] =	sst s0  }
0x9: {  	[smem:$0x3FA9] =	sst s1  }
0xa: {  	[smem:$0x3FAA] =	sst s2  }
0xb: {  	[smem:$0x3FAB] =	sst s3  }
0xc: {  	[smem:$0x3FAC] =	sst s4  }
0xd: {  	[smem:$0x3FAD] =	sst s5  }
0xe: {  	[smem:$0x3FAE] =	sst s6  }
0xf: {  	[smem:$0x3FAF] =	sst s7  }
0x10: {  	[smem:$0x3FB0] =	sst s8  }
0x11: {  	[smem:$0x3FB1] =	sst s9;
	s0 =	simm.s32 @!p0 $0x0  }
0x12: {  	s1 =	sld [smem:$0x3F97];
	s0 =	simm.s32 @p0 $0x1  }
0x13: {  	[smem:$0x3FB2] =	sst s0;
	s0 =	simm.s32 @!p1 $0x0  }
0x14: {  	s2 =	sld [smem:$0x3F96];
	s0 =	simm.s32 @p1 $0x1  }
0x15: {  	[smem:$0x3FB3] =	sst s0;
	s0 =	simm.s32 @!p2 $0x0  }
0x16: {  	s3 =	sld [smem:$0x3FDB];
	s0 =	simm.s32 @p2 $0x1  }
0x17: {  	s4 =	simm.s32 $0x1BF5;
	[smem:$0x3FB5] =	sst s0  }
0x18: {  	s0 =	sld [smem:$0x3F98];
	_ =	swait.ge [sflag:s4], $0x0  }
0x19: {  	s7 =	sld [smem:$0x3F99]  }
0x1a: {  	s8 =	sadd.s32 $0xFFFFE003, lr  }
0x1b: {  	s9 =	sadd.s32 $0xFFFFFEF7, lr;
	s5 =	simm.s32 $0xFFFFFFFF;
	p2 =	slt.u32 s8, $0xFFFFF086  }
0x1c: {  	p1 =	slt.u32 s9, $0xF7A;
	s5 =	simm.s32 @!p2 $0x0  }
0x1d: {  	s5 =	simm.s32 @p1 $0x1;
	p0 =	seq.s32 s7, s2  }
0x1e: {  	s7 =	smul.u32 @!p0 $0xF7A, s2;
	p2 =	seq.s32 @!p0 s5, $0x0  }
0x1f: {  	s9 =	smul.u32 $0xF7A, s1;
	s8 =	simm.s32 @!p0 $0x1BF5;
	p2 =	por !p2, p0  }
0x20: {  	[sflag:s8] =	ssyncset.s32 @!p0 $0xFFFFF086;
	s6 =	sadd.s32 @!p0 s3, s7;
	s7 =	simm.s32 @!p0 $0x108  }
0x21: {  	s3 =	sadd.s32 s3, s9;
	s6 =	sadd.s32 @!p0 $0x88, s6;
	s7 =	simm.s32 @p2 $0x1082  }
0x22: {  	[simem:s7], [sflag:s8] =	dma.local @!p0 [hbm:s6], $0xF7A  }
0x23: {  	s9 =	sor.u32 $0xD0000000, s2;
	s6 =	simm.s32 $0x108;
	_ =	swait.ge @!p0 [sflag:s8], $0x0  }
0x24: {  	s3 =	sadd.s32 $0x88, s3;
	s6 =	simm.s32 @!p1 $0x1082;
	[sflag:s4] =	ssyncset.s32 $0xFFFFF086  }
0x25: {  	[simem:s6], [sflag:s4] =	dma.local [hbm:s3], $0xF7A  }
0x26: {  	[smem:$0x3F99] =	sst s1;
	(tag) =	ssettag s2;
	_ =	strace s9  }
0x27: {  	s1 =	sld [smem:$0x3FA9]  }
0x28: {  	s2 =	sld [smem:$0x3FAA]  }
0x29: {  	s4 =	sld [smem:$0x3FAC]  }
0x2a: {  	p0 =	seq.s32 s5, $0x0;
	s5 =	sld [smem:$0x3FAD]  }
0x2b: {  	s6 =	sld [smem:$0x3FAE]  }
0x2c: {  	s7 =	sld [smem:$0x3FAF]  }
0x2d: {  	s3 =	simm.s32 $0x108;
	s8 =	sld [smem:$0x3FB0]  }
0x2e: {  	s3 =	simm.s32 @!p0 $0x1082;
	s9 =	sld [smem:$0x3FB1]  }
0x2f: {  	lr =	sadd.s32 s0, s3;
	s0 =	sld [smem:$0x3FA8]  }
0x30: {  	s3 =	sld [smem:$0x3FAB]  }
0x31: {  	[smem:$0x3FB4] =	sst s10  }
0x32: {  	s10 =	sld [smem:$0x3FB2];
	_ =	sdelay $0x3  }
0x33: {  	p0 =	seq.s32 s10, $0x1;
	s10 =	sld [smem:$0x3FB4];
	_ =	sdelay $0x3  }
0x34: {  	[smem:$0x3FB4] =	sst s10  }
0x35: {  	s10 =	sld [smem:$0x3FB3];
	_ =	sdelay $0x3  }
0x36: {  	p1 =	seq.s32 s10, $0x1;
	s10 =	sld [smem:$0x3FB4];
	_ =	sdelay $0x3  }
0x37: {  	[smem:$0x3FB4] =	sst s10  }
0x38: {  	s10 =	sld [smem:$0x3FB5]  }
0x39: {  	_ = 	snop;
	(pc) =	sbr.ind lr, $3  }
0x3a: {  	_ = 	snop  }
0x3b: {  	_ = 	snop  }
0x3c: {  	p2 =	seq.s32 s10, $0x1;
	s10 =	sld [smem:$0x3FB4]  }
0x3d: {  	_ =	shalt  }
0x3e: {  	_ =	shalt  }
0x3f: {  	_ =	shalt  }
0x40: {  	_ =	shalt  }
0x41: {  	_ =	shalt  }
0x42: {  	_ =	shalt  }
0x43: {  	_ =	shalt  }
0x44: {  	_ =	shalt  }
0x45: {  	_ =	shalt  }
0x46: {  	_ =	shalt  }
0x47: {  	_ =	shalt  }
0x48: {  	_ =	shalt  }
0x49: {  	_ =	shalt  }
0x4a: {  	_ =	shalt  }
0x4b: {  	_ =	shalt  }
0x4c: {  	_ =	shalt  }
0x4d: {  	_ =	shalt  }
0x4e: {  	_ =	shalt  }
0x4f: {  	_ =	shalt  }
0x50: {  	_ =	shalt  }
0x51: {  	_ =	shalt  }
0x52: {  	_ =	shalt  }
0x53: {  	_ =	shalt  }
0x54: {  	_ =	shalt  }
0x55: {  	_ =	shalt  }
0x56: {  	_ =	shalt  }
0x57: {  	_ =	shalt  }
0x58: {  	_ =	shalt  }
0x59: {  	_ =	shalt  }
0x5a: {  	_ =	shalt  }
0x5b: {  	_ =	shalt  }
0x5c: {  	_ =	shalt  }
0x5d: {  	_ =	shalt  }
0x5e: {  	_ =	shalt  }
0x5f: {  	_ =	shalt  }
0x60: {  	_ =	shalt  }
0x61: {  	_ =	shalt  }
0x62: {  	_ =	shalt  }
0x63: {  	_ =	shalt  }
0x64: {  	_ =	shalt  }
0x65: {  	_ =	shalt  }
0x66: {  	_ =	shalt  }
0x67: {  	_ =	shalt  }
0x68: {  	_ =	shalt  }
0x69: {  	_ =	shalt  }
0x6a: {  	_ =	shalt  }
0x6b: {  	_ =	shalt  }
0x6c: {  	_ =	shalt  }
0x6d: {  	_ =	shalt  }
0x6e: {  	_ =	shalt  }
0x6f: {  	_ =	shalt  }
0x70: {  	_ =	shalt  }
0x71: {  	_ =	shalt  }
0x72: {  	_ =	shalt  }
0x73: {  	_ =	shalt  }
0x74: {  	_ =	shalt  }
0x75: {  	_ =	shalt  }
0x76: {  	_ =	shalt  }
0x77: {  	_ =	shalt  }
0x78: {  	_ =	shalt  }
0x79: {  	_ =	shalt  }
0x7a: {  	_ =	shalt  }
0x7b: {  	_ =	shalt  }
0x7c: {  	_ =	shalt  }
0x7d: {  	_ =	shalt  }
0x7e: {  	_ =	shalt  }
0x7f: {  	_ =	shalt  }
0x80: {  	_ =	shalt  }
0x81: {  	_ =	shalt  }
0x82: {  	_ =	shalt  }
0x83: {  	_ =	shalt  }
0x84: {  	_ =	shalt  }
0x85: {  	_ =	shalt  }
0x86: {  	_ =	shalt  }
0x87: {  	_ =	shalt  }
.Lfunc_end0:
.L_simem_size_0:
called_computation_lowered:
.L_overlay_start_0:
0x88: {  	s2 =	sld [smem:$0x3FD9]  }
0x89: {  	s3 =	sld [smem:$0x3FFE];
	_ =	sdelay $0x1  }
0x8a: {  	s1 =	srdreg.scid  }
0x8b: {  	s0 =	sand.u32 $0x1, s1  }
0x8c: {  	s17 =	sshll.u32 s0, $0xA;
	s2 =	sadd.s32 s3, s2  }
0x8d: {  	s2 =	sadd.s32 s2, s17  }
0x8e: {  	[smem:$0x3FC0] =	sst s2  }
0x8f: {  	_ = 	snop  }
0x90: {  	s2 =	sld [smem:$0x3FD0];
	(tm) =	ssettm $0x1  }
0x91: {  	s18 =	sld [smem:$0x3FFB];
	_ =	sdelay $0x3  }
0x92: {  	_ =	strace s18  }
0x93: {  	s3 =	sld [smem:$0x3FFC];
	_ =	sdelay $0x3  }
0x94: {  	_ =	strace s3  }
0x95: {  	s3 =	sld [smem:$0x3FFD];
	_ =	sdelay $0x3  }
0x96: {  	_ =	strace s3  }
0x97: {  	_ =	strace $0x8FFFFFFF  }
0x98: {  	s19 =	sld [smem:$0x3FDB];
	_ =	sdelay $0x1  }
0x99: {  	s4 =	simm.s32 $_scs_section_size  }
0x9a: {  	s5 =	simm.s32 $_size__tile_overlayer_lowered;
	s6 =	simm.s32 $_tile_overlayer_lowered  }
0x9b: {  	s22 =	simm.s32 $0x1BFF;
	s21 =	sshll.u32 s6, $0x1;
	s3 =	sadd.s32 s4, s19  }
0x9c: {  	s7 =	simm.s32 $0x0;
	s20 =	sshll.u32 s5, $0x1;
	s5 =	sadd.s32 s21, s3  }
0x9d: {  	[timem:s7], [sflag:s22] =	dma.local [hbm:s5], s20  }
0x9e: {  	_ =	swait.ge [sflag:s22], s20  }
0x9f: {  	s4 =	ssub.s32 $0x0, s20;
	[sflag:s22] =	ssyncset.done $0x0  }
0xa0: {  	[sflag:s22] =	ssyncadd.s32 s4;
	_ =	sdelay $0x1  }
0xa1: {  	s23 =	simm.s32 $0x1B8B  }
0xa2: {  	_ =	swait.ge [sflag:s23], $0x1  }
0xa3: {  	[sflag:s23] =	ssyncset.done $0x0  }
0xa4: {  	s25 =	simm.s32 $0x1B8E;
	s24 =	sld [smem:$0x3FFE];
	[sflag:s23] =	ssyncadd.s32 $0xFFFFFFFF  }
0xa5: {  	s26 =	simm.s32 $execute0_lowered;
	[smem:$0x3FD2] =	sst s25  }
0xa6: {  	s5 =	sshll.u32 s26, $0x1;
	_ =	strace $0x80000046;
	[dreg:$0x1] =	wrdreg $0xFFFFFFFF  }
0xa7: {  	s28 =	simm.s32 $_size_execute0_lowered;
	s3 =	sadd.s32 s3, s5;
	[dreg:$0x0] =	wrdreg $0x0  }
0xa8: {  	s5 =	sshll.u32 s28, $0x1;
	[dreg:$0x2] =	wrdreg s3  }
0xa9: {  	[dreg:$0x3] =	wrdreg s5  }
0xaa: {  	[dreg:$0x4] =	wrdreg $0xC0  }
0xab: {  	_ =	task [dreg:s7], $0x5FFFF  }
0xac: {  	[dreg:$0x1] =	wrdreg $0xFFFFFFFF  }
0xad: {  	[dreg:$0x0] =	wrdreg $0x60  }
0xae: {  	[dreg:$0x2] =	wrdreg s2  }
0xaf: {  	[dreg:$0x3] =	wrdreg s24  }
0xb0: {  	[dreg:$0x4] =	wrdreg $0x9  }
0xb1: {  	_ =	task.clear_ibuf [dreg:s7], $0x5FFFF;
	_ =	strace $0x90000046  }
0xb2: {  	s29 =	simm.s32 $0x9;
	_ =	strace $0x80000048  }
0xb3: {  	_ =	swait.ge [sflag:s29], $0x1  }
0xb4: {  	[sflag:s29] =	ssyncadd.s32 $0xFFFFFFFF  }
0xb5: {  	_ =	strace $0x90000048  }
0xb6: {  	_ =	sfence  }
0xb7: {  	s30 =	sld [smem:$0x0];
	_ =	sdelay $0x2  }
0xb8: {  	s31 =	sshll.u32 s1, $0xD;
	s1 =	sshrl.u32 s1, $0x2  }
0xb9: {  	s3 =	sand.u32 $0x4000, s31;
	s1 =	sadd.s32 s1, s30  }
0xba: {  	s0 =	sor.u32 s3, s0;
	s1 =	sshll.u32 s1, $0x11  }
0xbb: {  	s0 =	sor.u32 s1, s0  }
0xbc: {  	s0 =	sadd.s32 $0x8F2B, s0  }
0xbd: {  	[sflag:s0] =	ssyncadd.remote.s32 $0x1  }
0xbe: {  	_ =	sfence.sel $0xFFFF  }
0xbf: {  	[dreg:$0x0] =	wrdreg $0xFFFFFFFF;
	(pc) =	sbr.abs _section_cstart, $3  }
0xc0: {  	[dreg:$0x1] =	wrdreg $0xFFFFFFFF  }
0xc1: {  	_ =	task.clear_ibuf [dreg:s7], $0x2FFFF;
	_ =	strace $0x9FFFFFFF  }
0xc2: {  	(tm) =	ssettm $0x7FFFFFFF  }
0xc3: {  	_ =	shalt  }
tec
execute0_lowered:
.L_overlay_start_1:
0x0: {  	(tag) =	ssettag $0x1  }
0x1: {  	s1 =	srdreg.scid;
	s0 =	stileid.u32  }
0x2: {  	s15 =	sand.u32 $0x1, s1;
	s28 =	sshll.u32 s0, $0x1  }
0x3: {  	s2 =	rddreg [dreg:$0x0];
	s9 =	sor.u32 s15, s28  }
0x4: {  	s14 =	rddreg [dreg:$0x1];
	s16 =	smul.u32 $0xC40, s9  }
0x5: {  	s3 =	simm.s32 $0x0;
	s1 =	rddreg [dreg:$0x2]  }
0x6: {  	[smem:$0x7FF] =	sst s3;
	s4 =	sshrl.u32 s16, $0x3  }
0x7: {  	_ =	strace $0x80000047;
	s5 =	sadd.s32 s14, s4;
	s4 =	simm.s32 $0x2  }
0x8: {  	[tilespmem:s3], [sflag:$0x2] =	stream.linear.gather [hbm4b:s5+s3], $0x310, $0x38;
	[tilespmem:$0x18B80] =	vst v63  }
0x9: {  	_ =	swait.ge [sflag:s4], $0x310  }
0xa: {  	s6 =	simm.s32 $0x310;
	[sflag:s4] =	ssyncset.done $0x0  }
0xb: {  	s7 =	simm.s32 $0x380;
	s8 =	simm.s32 $0x1;
	[sflag:s4] =	ssyncadd.s32 $0xFFFFFCF0  }
0xc: {  	[tilespmem:s7], [sflag:$0x1] =	stream.indirect.gather [hbm4b:s2+s6], $0x80, s3, s6, $0xb8;
	[tilespmem:$0x18B80] =	vst v63  }
0xd: {  	s9 =	smul.u32 $0xC400, s9;
	_ =	swait.ge [sflag:s8], $0x18800  }
0xe: {  	s17 =	sadd.s32 $0x3200, s14;
	[sflag:s8] =	ssyncset.done $0x0  }
0xf: {  	s9 =	sadd.s32 s17, s9;
	[sflag:s8] =	ssyncadd.s32 $0xFFFE7800  }
0x10: {  	[hbm4b:s9+s3] =	stream.linear.scatter [tilespmem:s7], [sflag:$0x2], $0x18800, $0x38;
	[tilespmem:$0x18B80] =	vst v63  }
0x11: {  	s11 =	sadd.s32 $0x310, s16;
	_ =	swait.ge [sflag:s4], $0x18800  }
0x12: {  	s10 =	sshrl.u32 s11, $0x3;
	[sflag:s4] =	ssyncset.done $0x0  }
0x13: {  	s10 =	sadd.s32 s14, s10;
	[sflag:s4] =	ssyncadd.s32 $0xFFFE7800  }
0x14: {  	[tilespmem:s3], [sflag:$0x2] =	stream.linear.gather [hbm4b:s10+s3], $0x310, $0x38;
	[tilespmem:$0x18B80] =	vst v63  }
0x15: {  	_ =	swait.ge [sflag:s4], $0x310  }
0x16: {  	[sflag:s4] =	ssyncset.done $0x0  }
0x17: {  	[sflag:s4] =	ssyncadd.s32 $0xFFFFFCF0  }
0x18: {  	[tilespmem:s7], [sflag:$0x1] =	stream.indirect.gather [hbm4b:s2+s6], $0x80, s3, s6, $0xb8;
	[tilespmem:$0x18B80] =	vst v63  }
0x19: {  	_ =	swait.ge [sflag:s8], $0x18800  }
0x1a: {  	s11 =	sshll.u32 s11, $0x4;
	[sflag:s8] =	ssyncset.done $0x0  }
0x1b: {  	s11 =	sadd.s32 s17, s11;
	[sflag:s8] =	ssyncadd.s32 $0xFFFE7800  }
0x1c: {  	[hbm4b:s11+s3] =	stream.linear.scatter [tilespmem:s7], [sflag:$0x2], $0x18800, $0x38;
	[tilespmem:$0x18B80] =	vst v63  }
0x1d: {  	s13 =	sadd.s32 $0x620, s16;
	_ =	swait.ge [sflag:s4], $0x18800  }
0x1e: {  	s12 =	sshrl.u32 s13, $0x3;
	[sflag:s4] =	ssyncset.done $0x0  }
0x1f: {  	s12 =	sadd.s32 s14, s12;
	[sflag:s4] =	ssyncadd.s32 $0xFFFE7800  }
0x20: {  	[tilespmem:s3], [sflag:$0x2] =	stream.linear.gather [hbm4b:s12+s3], $0x310, $0x38;
	[tilespmem:$0x18B80] =	vst v63  }
0x21: {  	_ =	swait.ge [sflag:s4], $0x310  }
0x22: {  	[sflag:s4] =	ssyncset.done $0x0  }
0x23: {  	[sflag:s4] =	ssyncadd.s32 $0xFFFFFCF0  }
0x24: {  	[tilespmem:s7], [sflag:$0x1] =	stream.indirect.gather [hbm4b:s2+s6], $0x80, s3, s6, $0xb8;
	[tilespmem:$0x18B80] =	vst v63  }
0x25: {  	_ =	swait.ge [sflag:s8], $0x18800  }
0x26: {  	s13 =	sshll.u32 s13, $0x4;
	[sflag:s8] =	ssyncset.done $0x0  }
0x27: {  	s13 =	sadd.s32 s17, s13;
	[sflag:s8] =	ssyncadd.s32 $0xFFFE7800  }
0x28: {  	[hbm4b:s13+s3] =	stream.linear.scatter [tilespmem:s7], [sflag:$0x2], $0x18800, $0x38;
	[tilespmem:$0x18B80] =	vst v63  }
0x29: {  	s16 =	sadd.s32 $0x930, s16;
	_ =	swait.ge [sflag:s4], $0x18800  }
0x2a: {  	s18 =	sshrl.u32 s16, $0x3;
	[sflag:s4] =	ssyncset.done $0x0  }
0x2b: {  	s15 =	ssub.s32 $0x2, s15;
	s14 =	sadd.s32 s14, s18;
	[sflag:s4] =	ssyncadd.s32 $0xFFFE7800  }
0x2c: {  	[tilespmem:s3], [sflag:$0x2] =	stream.linear.gather [hbm4b:s14+s3], $0x310, $0x38;
	[tilespmem:$0x18B80] =	vst v63  }
0x2d: {  	s29 =	sshrl.u32 s15, $0x1;
	_ =	swait.ge [sflag:s4], $0x310  }
0x2e: {  	s18 =	ssub.s32 s15, s29;
	[sflag:s4] =	ssyncset.done $0x0  }
0x2f: {  	s31 =	smax.u32 s18, $0x1;
	[sflag:s4] =	ssyncadd.s32 $0xFFFFFCF0  }
0x30: {  	[tilespmem:s7], [sflag:$0x1] =	stream.indirect.gather [hbm4b:s2+s6], $0x80, s3, s6, $0xb8;
	[tilespmem:$0x18B80] =	vst v63  }
0x31: {  	p0 =	sne.s32 s31, $0x1;
	_ =	swait.ge [sflag:s8], $0x18800  }
.Ltmp0:
0x32: {  	s30 =	sshll.u32 s16, $0x4;
	[sflag:s8] =	ssyncset.done $0x0;
	(pc) =	sbr.rel @!p0 .LBB2_2-.Ltmp0, $4  }
0x33: {  	s15 =	sadd.s32 s17, s30;
	[sflag:s8] =	ssyncadd.s32 $0xFFFE7800  }
0x34: {  	[hbm4b:s15+s3] =	stream.linear.scatter [tilespmem:s7], [sflag:$0x2], $0x18800, $0x38;
	[tilespmem:$0x18B80] =	vst v63  }
0x35: {  	_ =	swait.ge [sflag:s4], $0x18800  }
0x36: {  	s16 =	sadd.s32 $0xFFFFFFFF, s31;
	[sflag:s4] =	ssyncset.done $0x0  }
.LBB2_1:
0x37: {  	p0 =	sne.s32 s16, $0x1;
	s16 =	sadd.s32 $0xFFFFFFFF, s16;
	[sflag:s4] =	ssyncadd.s32 $0xFFFE7800  }
0x38: {  	[tilespmem:s3], [sflag:$0x2] =	stream.linear.gather [hbm4b:s5+s3], $0x310, $0x38;
	[tilespmem:$0x18B80] =	vst v63  }
0x39: {  	_ =	swait.ge [sflag:s4], $0x310  }
0x3a: {  	[sflag:s4] =	ssyncset.done $0x0  }
0x3b: {  	[sflag:s4] =	ssyncadd.s32 $0xFFFFFCF0  }
0x3c: {  	[tilespmem:s7], [sflag:$0x1] =	stream.indirect.gather [hbm4b:s2+s6], $0x80, s3, s6, $0xb8;
	[tilespmem:$0x18B80] =	vst v63  }
0x3d: {  	_ =	swait.ge [sflag:s8], $0x18800  }
0x3e: {  	[sflag:s8] =	ssyncset.done $0x0  }
0x3f: {  	[sflag:s8] =	ssyncadd.s32 $0xFFFE7800  }
0x40: {  	[hbm4b:s9+s3] =	stream.linear.scatter [tilespmem:s7], [sflag:$0x2], $0x18800, $0x38;
	[tilespmem:$0x18B80] =	vst v63  }
0x41: {  	_ =	swait.ge [sflag:s4], $0x18800  }
0x42: {  	[sflag:s4] =	ssyncset.done $0x0  }
0x43: {  	[sflag:s4] =	ssyncadd.s32 $0xFFFE7800  }
0x44: {  	[tilespmem:s3], [sflag:$0x2] =	stream.linear.gather [hbm4b:s10+s3], $0x310, $0x38;
	[tilespmem:$0x18B80] =	vst v63  }
0x45: {  	_ =	swait.ge [sflag:s4], $0x310  }
0x46: {  	[sflag:s4] =	ssyncset.done $0x0  }
0x47: {  	[sflag:s4] =	ssyncadd.s32 $0xFFFFFCF0  }
0x48: {  	[tilespmem:s7], [sflag:$0x1] =	stream.indirect.gather [hbm4b:s2+s6], $0x80, s3, s6, $0xb8;
	[tilespmem:$0x18B80] =	vst v63  }
0x49: {  	_ =	swait.ge [sflag:s8], $0x18800  }
0x4a: {  	[sflag:s8] =	ssyncset.done $0x0  }
0x4b: {  	[sflag:s8] =	ssyncadd.s32 $0xFFFE7800  }
0x4c: {  	[hbm4b:s11+s3] =	stream.linear.scatter [tilespmem:s7], [sflag:$0x2], $0x18800, $0x38;
	[tilespmem:$0x18B80] =	vst v63  }
0x4d: {  	_ =	swait.ge [sflag:s4], $0x18800  }
0x4e: {  	[sflag:s4] =	ssyncset.done $0x0  }
0x4f: {  	[sflag:s4] =	ssyncadd.s32 $0xFFFE7800  }
0x50: {  	[tilespmem:s3], [sflag:$0x2] =	stream.linear.gather [hbm4b:s12+s3], $0x310, $0x38;
	[tilespmem:$0x18B80] =	vst v63  }
0x51: {  	_ =	swait.ge [sflag:s4], $0x310  }
0x52: {  	[sflag:s4] =	ssyncset.done $0x0  }
0x53: {  	[sflag:s4] =	ssyncadd.s32 $0xFFFFFCF0  }
0x54: {  	[tilespmem:s7], [sflag:$0x1] =	stream.indirect.gather [hbm4b:s2+s6], $0x80, s3, s6, $0xb8;
	[tilespmem:$0x18B80] =	vst v63  }
0x55: {  	_ =	swait.ge [sflag:s8], $0x18800  }
0x56: {  	[sflag:s8] =	ssyncset.done $0x0  }
0x57: {  	[sflag:s8] =	ssyncadd.s32 $0xFFFE7800  }
0x58: {  	[hbm4b:s13+s3] =	stream.linear.scatter [tilespmem:s7], [sflag:$0x2], $0x18800, $0x38;
	[tilespmem:$0x18B80] =	vst v63  }
0x59: {  	_ =	swait.ge [sflag:s4], $0x18800  }
0x5a: {  	[sflag:s4] =	ssyncset.done $0x0  }
0x5b: {  	[sflag:s4] =	ssyncadd.s32 $0xFFFE7800  }
0x5c: {  	[tilespmem:s3], [sflag:$0x2] =	stream.linear.gather [hbm4b:s14+s3], $0x310, $0x38;
	[tilespmem:$0x18B80] =	vst v63  }
0x5d: {  	_ =	swait.ge [sflag:s4], $0x310  }
0x5e: {  	[sflag:s4] =	ssyncset.done $0x0  }
0x5f: {  	[sflag:s4] =	ssyncadd.s32 $0xFFFFFCF0  }
0x60: {  	[tilespmem:s7], [sflag:$0x1] =	stream.indirect.gather [hbm4b:s2+s6], $0x80, s3, s6, $0xb8;
	[tilespmem:$0x18B80] =	vst v63  }
0x61: {  	_ =	swait.ge [sflag:s8], $0x18800  }
.Ltmp1:
0x62: {  	[sflag:s8] =	ssyncset.done $0x0;
	(pc) =	sbr.rel @p0 .LBB2_1-.Ltmp1, $4  }
0x63: {  	[sflag:s8] =	ssyncadd.s32 $0xFFFE7800  }
0x64: {  	[hbm4b:s15+s3] =	stream.linear.scatter [tilespmem:s7], [sflag:$0x2], $0x18800, $0x38;
	[tilespmem:$0x18B80] =	vst v63  }
0x65: {  	_ =	swait.ge [sflag:s4], $0x18800  }
0x66: {  	[sflag:s4] =	ssyncset.done $0x0  }
.LBB2_2:
0x67: {  	[sflag:s4] =	ssyncadd.s32 $0xFFFE7800  }
0x68: {  	_ =	sfence.sel $0x180000  }
0x69: {  	[bflag:$0x0] =	sbarrier.arrive $0xFFFF  }
0x6a: {  	p0 =	sne.s32 s0, $0x0;
	_ =	strace $0x90000047  }
0x6b: {  	s0 =	sadd.s32 @!p0 $0x100000, s1;
	[bflag:$0x2] =	sbarrier.arrive $0xFFFF  }
0x6c: {  	[sflag:s0] =	ssyncadd.tile.s32 @!p0 $0x1;
	_ =	shalt  }
.Lfunc_end2:
_tile_overlayer_lowered:
.L_overlay_start_2:
0x6d: {  	(tag) =	ssettag $0x2  }
0x6e: {  	s0 =	rddreg [dreg:$0x0];
	s2 =	stileid.u32  }
0x6f: {  	s1 =	rddreg [dreg:$0x1];
	p0 =	sne.s32 s2, $0x0  }
0x70: {  	s3 =	rddreg [dreg:$0x2];
	[bflag:$0x3] =	sbarrier.arrive $0xFFFF;
	s2 =	simm.s32 @!p0 $0x1C02  }
0x71: {  	[timem:s3], [sflag:s2] =	dma.local @!p0 [hbm:s0], s1  }
0x72: {  	s0 =	simm.s32 @!p0 $0x2  }
0x73: {  	_ =	swait.ge @!p0 [sflag:s0], s1  }
0x74: {  	s1 =	ssub.s32 @!p0 $0x0, s1;
	[sflag:s0] =	ssyncset.done @!p0 $0x0  }
0x75: {  	[sflag:s0] =	ssyncadd.s32 @!p0 s1  }
0x76: {  	[bflag:$0x3] =	sbarrier.arrive $0xFFFF  }
0x77: {  	_ =	shalt  }

</sc_bundles>
